<compile_context>
chip_gen: v7x
topology: tpu7x:2x2x1
jax: 0.10.2.dev20260603
libtpu: 0.0.44.dev20260713+nightly
codegen_flags: <defaults>
</compile_context>

<pallas_src>
import functools

import jax
import jax.numpy as jnp
from jax import lax
from jax.experimental import pallas as pl
from jax.experimental.pallas import tpu as pltpu
from jax.experimental.pallas import tpu_sc as plsc

NUM_FACTORS = 16
CHUNK = 128


@functools.lru_cache(maxsize=None)
def _build(batch, num_users, num_items):
    info = plsc.get_sparse_core_info()
    nc, ns, lanes = info.num_cores, info.num_subcores, info.num_lanes
    nw = nc * ns
    assert lanes == NUM_FACTORS
    assert batch % (nw * CHUNK) == 0
    bpw = batch // nw
    nch = bpw // CHUNK
    ngrp = bpw // lanes

    mesh = plsc.VectorSubcoreMesh(core_axis_name="c", subcore_axis_name="s")

    @functools.partial(
        pl.kernel,
        mesh=mesh,
        compiler_params=pltpu.CompilerParams(use_tc_tiling_on_sc=False),
        out_type=jax.ShapeDtypeStruct((batch,), jnp.float32),
        scratch_types=[
            pltpu.VMEM((nch, CHUNK), jnp.int32),
            pltpu.VMEM((nch, CHUNK), jnp.int32),
            pltpu.VMEM((bpw, NUM_FACTORS), jnp.float32),
            pltpu.VMEM((bpw, NUM_FACTORS), jnp.float32),
            pltpu.VMEM((bpw,), jnp.float32),
            pltpu.VMEM((NUM_FACTORS,), jnp.float32),
            pltpu.VMEM((NUM_FACTORS,), jnp.float32),
            pltpu.SemaphoreType.DMA,
        ],
    )
    def gmf(users_hbm, items_hbm, utab_hbm, itab_hbm, w_hbm, b_hbm, out_hbm,
            uidx_v, iidx_v, ue_v, ie_v, out_v, w_v, b_v, sem):
        wid = lax.axis_index("s") * nc + lax.axis_index("c")
        base = wid * bpw

        for j in range(nch):
            pltpu.sync_copy(users_hbm.at[pl.ds(base + j * CHUNK, CHUNK)],
                            uidx_v.at[j])
            pltpu.sync_copy(items_hbm.at[pl.ds(base + j * CHUNK, CHUNK)],
                            iidx_v.at[j])
        pltpu.sync_copy(w_hbm, w_v)
        pltpu.sync_copy(b_hbm, b_v)

        copies = []
        for j in range(nch):
            copies.append(pltpu.async_copy(
                utab_hbm.at[uidx_v.at[j]],
                ue_v.at[pl.ds(j * CHUNK, CHUNK)], sem))
            copies.append(pltpu.async_copy(
                itab_hbm.at[iidx_v.at[j]],
                ie_v.at[pl.ds(j * CHUNK, CHUNK)], sem))
        for c in copies:
            c.wait()

        w_vec = w_v[...]
        b_vec = b_v[...]
        lane_iota = lax.iota(jnp.int32, lanes)
        perm = {k: lane_iota ^ k for k in (1, 2, 4, 8)}

        def lane_sum(p):
            for k in (8, 4, 2, 1):
                p = p + jax.lax.gather(
                    p,
                    perm[k][:, None],
                    jax.lax.GatherDimensionNumbers(
                        offset_dims=(), collapsed_slice_dims=(0,),
                        start_index_map=(0,)),
                    (1,),
                    mode=jax.lax.GatherScatterMode.PROMISE_IN_BOUNDS)
            return p

        def group_body(g, carry):
            base_r = g * lanes
            acc = b_vec
            for r in range(lanes):
                u = ue_v[base_r + r, :]
                i_ = ie_v[base_r + r, :]
                p = lane_sum(u * i_ * w_vec)
                acc = jnp.where(lane_iota == r, acc + p, acc)
            out_v[pl.ds(base_r, lanes)] = acc
            return carry

        lax.fori_loop(0, ngrp, group_body, 0)
        pltpu.sync_copy(out_v, out_hbm.at[pl.ds(base, bpw)])

    return gmf


def kernel(users, items, user_table, item_table, logit_w, logit_b):
    batch = users.shape[0]
    gmf = _build(batch, user_table.shape[0], item_table.shape[0])
    wvec = logit_w.reshape(NUM_FACTORS)
    bvec = jnp.broadcast_to(logit_b.reshape(()), (NUM_FACTORS,))
    return gmf(users.astype(jnp.int32), items.astype(jnp.int32),
               user_table, item_table, wvec, bvec)

# --- scband reference (transcript-rebuilt; emitter-appended) ---
"""Pipeline reference for scband-gmf-31001073942594 (READ-ONLY COPY).

The authoritative reference and input builder live on the scoring server;
editing this copy changes nothing except your own understanding.
"""

import jax, jax.numpy as jnp
import numpy as np

NUM_USERS = 1000000
NUM_ITEMS = 1000000
NUM_FACTORS = 16
BATCH = 16384

def setup_inputs(seed: int = 0) -> dict:
    key = jax.random.key(seed)
    k1, k2, k3, k4, k5, k6 = jax.random.split(key, 6)
    users = jax.random.randint(k1, (BATCH,), 0, NUM_USERS, dtype=jnp.int64 if jax.config.jax_enable_x64 else jnp.int32)
    items = jax.random.randint(k2, (BATCH,), 0, NUM_ITEMS, dtype=jnp.int64 if jax.config.jax_enable_x64 else jnp.int32)
    user_table = jax.random.normal(k3, (NUM_USERS, NUM_FACTORS), dtype=jnp.float32) * 0.01
    item_table = jax.random.normal(k4, (NUM_ITEMS, NUM_FACTORS), dtype=jnp.float32) * 0.01
    logit_w = jax.random.normal(k5, (1, NUM_FACTORS), dtype=jnp.float32) * 0.01
    logit_b = jax.random.normal(k6, (1,), dtype=jnp.float32) * 0.01
    return {"users": users, "items": items, "user_table": user_table, "item_table": item_table, "logit_w": logit_w, "logit_b": logit_b}

def reference(users, items, user_table, item_table, logit_w, logit_b):
    # embedding lookups (gathers)
    ue = jnp.take(user_table, users, axis=0)  # [B, F]
    ie = jnp.take(item_table, items, axis=0)  # [B, F]
    h = ue * ie  # elementwise GMF interaction
    out = h @ logit_w.T + logit_b  # [B, 1]
    return out.reshape(-1)

if __name__ == "__main__":
    import jax
    _d = setup_inputs()
    print(jax.jit(kernel)(*tuple(_d.values())))

</pallas_src>

<mosaic_0001>
#map = affine_map<(d0, d1) -> (0)>
#map1 = affine_map<(d0, d1) -> (0, 0)>
module attributes {stable_mosaic.version = 14 : i64} {
  func.func @gmf(%arg0: i32, %arg1: i32, %arg2: memref<16384xi32, #tpu.memory_space<hbm>>, %arg3: memref<16384xi32, #tpu.memory_space<hbm>>, %arg4: memref<1000000x16xf32, #tpu.memory_space<hbm>>, %arg5: memref<1000000x16xf32, #tpu.memory_space<hbm>>, %arg6: memref<16xf32, #tpu.memory_space<hbm>>, %arg7: memref<16xf32, #tpu.memory_space<hbm>>, %arg8: memref<16384xf32, #tpu.memory_space<hbm>>, %arg9: memref<4x128xi32, #tpu.memory_space<vmem>>, %arg10: memref<4x128xi32, #tpu.memory_space<vmem>>, %arg11: memref<512x16xf32, #tpu.memory_space<vmem>>, %arg12: memref<512x16xf32, #tpu.memory_space<vmem>>, %arg13: memref<512xf32, #tpu.memory_space<vmem>>, %arg14: memref<16xf32, #tpu.memory_space<vmem>>, %arg15: memref<16xf32, #tpu.memory_space<vmem>>, %arg16: memref<!tpu.dma_semaphore, #tpu.memory_space<semaphore_mem>>) attributes {dimension_semantics = [#tpu.dimension_semantics<core_parallel>, #tpu.dimension_semantics<subcore_parallel>], iteration_bounds = array<i64: 2, 16>, scalar_prefetch = 0 : i64, scratch_operands = 8 : i64, tpu.core_type = #tpu.core_type<sc_vector_subcore>, window_params = [{transform_indices = #map}, {transform_indices = #map}, {transform_indices = #map1}, {transform_indices = #map1}, {transform_indices = #map}, {transform_indices = #map}, {transform_indices = #map}]} {
    %mul3A = arith.constant 2 : i32
    %mul3A_0 = arith.muli %arg1, %mul3A : i32
    %add3A = arith.addi %mul3A_0, %arg0 : i32
    %mul3A_1 = arith.constant 512 : i32
    %mul3A_2 = arith.muli %add3A, %mul3A_1 : i32
    %add3A_3 = arith.constant 0 : i32
    %add3A_4 = arith.addi %mul3A_2, %add3A_3 : i32
    %run_scoped3A = arith.constant 0 : i32
    "tpu.region"() ({
      %run_scoped3A_205 = tpu.sem_alloc : memref<!tpu.dma_semaphore, #tpu.memory_space<semaphore_mem>>
      %dma_start3A_206 = arith.constant 0 : i32
      %dma_start3A_207 = tpu.memref_slice %arg9[%run_scoped3A, %dma_start3A_206] : memref<4x128xi32, #tpu.memory_space<vmem>> -> memref<1x128xi32, #tpu.memory_space<vmem>>
      %dma_start3A_208 = tpu.memref_squeeze %dma_start3A_207 : memref<1x128xi32, #tpu.memory_space<vmem>> -> memref<128xi32, #tpu.memory_space<vmem>>
      %dma_start3A_209 = tpu.memref_slice %arg2[%add3A_4] : memref<16384xi32, #tpu.memory_space<hbm>> -> memref<128xi32, #tpu.memory_space<hbm>>
      %dma_start3A_210 = arith.constant 0 : i32
      %dma_start3A_211 = tpu.memref_slice %arg9[%run_scoped3A, %dma_start3A_210] : memref<4x128xi32, #tpu.memory_space<vmem>> -> memref<1x128xi32, #tpu.memory_space<vmem>>
      %dma_start3A_212 = tpu.memref_squeeze %dma_start3A_211 : memref<1x128xi32, #tpu.memory_space<vmem>> -> memref<128xi32, #tpu.memory_space<vmem>>
      %dma_start3A_213 = tpu.memref_slice %arg2[%add3A_4] : memref<16384xi32, #tpu.memory_space<hbm>> -> memref<128xi32, #tpu.memory_space<hbm>>
      tpu.enqueue_dma source(%dma_start3A_213 : memref<128xi32, #tpu.memory_space<hbm>>) target(%dma_start3A_212 : memref<128xi32, #tpu.memory_space<vmem>>) target_semaphore(%run_scoped3A_205 : memref<!tpu.dma_semaphore, #tpu.memory_space<semaphore_mem>>)
      %dma_wait3A_214 = arith.constant 0 : i32
      %dma_wait3A_215 = tpu.memref_slice %arg9[%run_scoped3A, %dma_wait3A_214] : memref<4x128xi32, #tpu.memory_space<vmem>> -> memref<1x128xi32, #tpu.memory_space<vmem>>
      %dma_wait3A_216 = tpu.memref_squeeze %dma_wait3A_215 : memref<1x128xi32, #tpu.memory_space<vmem>> -> memref<128xi32, #tpu.memory_space<vmem>>
      %dma_wait3A_217 = tpu.memref_slice %arg2[%add3A_4] : memref<16384xi32, #tpu.memory_space<hbm>> -> memref<128xi32, #tpu.memory_space<hbm>>
      %dma_wait3A_218 = arith.constant 0 : i32
      %dma_wait3A_219 = tpu.memref_slice %arg9[%run_scoped3A, %dma_wait3A_218] : memref<4x128xi32, #tpu.memory_space<vmem>> -> memref<1x128xi32, #tpu.memory_space<vmem>>
      %dma_wait3A_220 = tpu.memref_squeeze %dma_wait3A_219 : memref<1x128xi32, #tpu.memory_space<vmem>> -> memref<128xi32, #tpu.memory_space<vmem>>
      %dma_wait3A_221 = tpu.memref_slice %arg2[%add3A_4] : memref<16384xi32, #tpu.memory_space<hbm>> -> memref<128xi32, #tpu.memory_space<hbm>>
      tpu.wait_dma2 semaphore(%run_scoped3A_205 : memref<!tpu.dma_semaphore, #tpu.memory_space<semaphore_mem>>) src(%dma_wait3A_221 : memref<128xi32, #tpu.memory_space<hbm>>) dst(%dma_wait3A_220 : memref<128xi32, #tpu.memory_space<vmem>>)
      tpu.yield
    }) : () -> ()
    %add3A_5 = arith.constant 0 : i32
    %add3A_6 = arith.addi %mul3A_2, %add3A_5 : i32
    %run_scoped3A_7 = arith.constant 0 : i32
    "tpu.region"() ({
      %run_scoped3A_205 = tpu.sem_alloc : memref<!tpu.dma_semaphore, #tpu.memory_space<semaphore_mem>>
      %dma_start3A_206 = arith.constant 0 : i32
      %dma_start3A_207 = tpu.memref_slice %arg10[%run_scoped3A_7, %dma_start3A_206] : memref<4x128xi32, #tpu.memory_space<vmem>> -> memref<1x128xi32, #tpu.memory_space<vmem>>
      %dma_start3A_208 = tpu.memref_squeeze %dma_start3A_207 : memref<1x128xi32, #tpu.memory_space<vmem>> -> memref<128xi32, #tpu.memory_space<vmem>>
      %dma_start3A_209 = tpu.memref_slice %arg3[%add3A_6] : memref<16384xi32, #tpu.memory_space<hbm>> -> memref<128xi32, #tpu.memory_space<hbm>>
      %dma_start3A_210 = arith.constant 0 : i32
      %dma_start3A_211 = tpu.memref_slice %arg10[%run_scoped3A_7, %dma_start3A_210] : memref<4x128xi32, #tpu.memory_space<vmem>> -> memref<1x128xi32, #tpu.memory_space<vmem>>
      %dma_start3A_212 = tpu.memref_squeeze %dma_start3A_211 : memref<1x128xi32, #tpu.memory_space<vmem>> -> memref<128xi32, #tpu.memory_space<vmem>>
      %dma_start3A_213 = tpu.memref_slice %arg3[%add3A_6] : memref<16384xi32, #tpu.memory_space<hbm>> -> memref<128xi32, #tpu.memory_space<hbm>>
      tpu.enqueue_dma source(%dma_start3A_213 : memref<128xi32, #tpu.memory_space<hbm>>) target(%dma_start3A_212 : memref<128xi32, #tpu.memory_space<vmem>>) target_semaphore(%run_scoped3A_205 : memref<!tpu.dma_semaphore, #tpu.memory_space<semaphore_mem>>)
      %dma_wait3A_214 = arith.constant 0 : i32
      %dma_wait3A_215 = tpu.memref_slice %arg10[%run_scoped3A_7, %dma_wait3A_214] : memref<4x128xi32, #tpu.memory_space<vmem>> -> memref<1x128xi32, #tpu.memory_space<vmem>>
      %dma_wait3A_216 = tpu.memref_squeeze %dma_wait3A_215 : memref<1x128xi32, #tpu.memory_space<vmem>> -> memref<128xi32, #tpu.memory_space<vmem>>
      %dma_wait3A_217 = tpu.memref_slice %arg3[%add3A_6] : memref<16384xi32, #tpu.memory_space<hbm>> -> memref<128xi32, #tpu.memory_space<hbm>>
      %dma_wait3A_218 = arith.constant 0 : i32
      %dma_wait3A_219 = tpu.memref_slice %arg10[%run_scoped3A_7, %dma_wait3A_218] : memref<4x128xi32, #tpu.memory_space<vmem>> -> memref<1x128xi32, #tpu.memory_space<vmem>>
      %dma_wait3A_220 = tpu.memref_squeeze %dma_wait3A_219 : memref<1x128xi32, #tpu.memory_space<vmem>> -> memref<128xi32, #tpu.memory_space<vmem>>
      %dma_wait3A_221 = tpu.memref_slice %arg3[%add3A_6] : memref<16384xi32, #tpu.memory_space<hbm>> -> memref<128xi32, #tpu.memory_space<hbm>>
      tpu.wait_dma2 semaphore(%run_scoped3A_205 : memref<!tpu.dma_semaphore, #tpu.memory_space<semaphore_mem>>) src(%dma_wait3A_221 : memref<128xi32, #tpu.memory_space<hbm>>) dst(%dma_wait3A_220 : memref<128xi32, #tpu.memory_space<vmem>>)
      tpu.yield
    }) : () -> ()
    %add3A_8 = arith.constant 128 : i32
    %add3A_9 = arith.addi %mul3A_2, %add3A_8 : i32
    %run_scoped3A_10 = arith.constant 1 : i32
    "tpu.region"() ({
      %run_scoped3A_205 = tpu.sem_alloc : memref<!tpu.dma_semaphore, #tpu.memory_space<semaphore_mem>>
      %dma_start3A_206 = arith.constant 0 : i32
      %dma_start3A_207 = tpu.memref_slice %arg9[%run_scoped3A_10, %dma_start3A_206] : memref<4x128xi32, #tpu.memory_space<vmem>> -> memref<1x128xi32, #tpu.memory_space<vmem>>
      %dma_start3A_208 = tpu.memref_squeeze %dma_start3A_207 : memref<1x128xi32, #tpu.memory_space<vmem>> -> memref<128xi32, #tpu.memory_space<vmem>>
      %dma_start3A_209 = tpu.memref_slice %arg2[%add3A_9] : memref<16384xi32, #tpu.memory_space<hbm>> -> memref<128xi32, #tpu.memory_space<hbm>>
      %dma_start3A_210 = arith.constant 0 : i32
      %dma_start3A_211 = tpu.memref_slice %arg9[%run_scoped3A_10, %dma_start3A_210] : memref<4x128xi32, #tpu.memory_space<vmem>> -> memref<1x128xi32, #tpu.memory_space<vmem>>
      %dma_start3A_212 = tpu.memref_squeeze %dma_start3A_211 : memref<1x128xi32, #tpu.memory_space<vmem>> -> memref<128xi32, #tpu.memory_space<vmem>>
      %dma_start3A_213 = tpu.memref_slice %arg2[%add3A_9] : memref<16384xi32, #tpu.memory_space<hbm>> -> memref<128xi32, #tpu.memory_space<hbm>>
      tpu.enqueue_dma source(%dma_start3A_213 : memref<128xi32, #tpu.memory_space<hbm>>) target(%dma_start3A_212 : memref<128xi32, #tpu.memory_space<vmem>>) target_semaphore(%run_scoped3A_205 : memref<!tpu.dma_semaphore, #tpu.memory_space<semaphore_mem>>)
      %dma_wait3A_214 = arith.constant 0 : i32
      %dma_wait3A_215 = tpu.memref_slice %arg9[%run_scoped3A_10, %dma_wait3A_214] : memref<4x128xi32, #tpu.memory_space<vmem>> -> memref<1x128xi32, #tpu.memory_space<vmem>>
      %dma_wait3A_216 = tpu.memref_squeeze %dma_wait3A_215 : memref<1x128xi32, #tpu.memory_space<vmem>> -> memref<128xi32, #tpu.memory_space<vmem>>
      %dma_wait3A_217 = tpu.memref_slice %arg2[%add3A_9] : memref<16384xi32, #tpu.memory_space<hbm>> -> memref<128xi32, #tpu.memory_space<hbm>>
      %dma_wait3A_218 = arith.constant 0 : i32
      %dma_wait3A_219 = tpu.memref_slice %arg9[%run_scoped3A_10, %dma_wait3A_218] : memref<4x128xi32, #tpu.memory_space<vmem>> -> memref<1x128xi32, #tpu.memory_space<vmem>>
      %dma_wait3A_220 = tpu.memref_squeeze %dma_wait3A_219 : memref<1x128xi32, #tpu.memory_space<vmem>> -> memref<128xi32, #tpu.memory_space<vmem>>
      %dma_wait3A_221 = tpu.memref_slice %arg2[%add3A_9] : memref<16384xi32, #tpu.memory_space<hbm>> -> memref<128xi32, #tpu.memory_space<hbm>>
      tpu.wait_dma2 semaphore(%run_scoped3A_205 : memref<!tpu.dma_semaphore, #tpu.memory_space<semaphore_mem>>) src(%dma_wait3A_221 : memref<128xi32, #tpu.memory_space<hbm>>) dst(%dma_wait3A_220 : memref<128xi32, #tpu.memory_space<vmem>>)
      tpu.yield
    }) : () -> ()
    %add3A_11 = arith.constant 128 : i32
    %add3A_12 = arith.addi %mul3A_2, %add3A_11 : i32
    %run_scoped3A_13 = arith.constant 1 : i32
    "tpu.region"() ({
      %run_scoped3A_205 = tpu.sem_alloc : memref<!tpu.dma_semaphore, #tpu.memory_space<semaphore_mem>>
      %dma_start3A_206 = arith.constant 0 : i32
      %dma_start3A_207 = tpu.memref_slice %arg10[%run_scoped3A_13, %dma_start3A_206] : memref<4x128xi32, #tpu.memory_space<vmem>> -> memref<1x128xi32, #tpu.memory_space<vmem>>
      %dma_start3A_208 = tpu.memref_squeeze %dma_start3A_207 : memref<1x128xi32, #tpu.memory_space<vmem>> -> memref<128xi32, #tpu.memory_space<vmem>>
      %dma_start3A_209 = tpu.memref_slice %arg3[%add3A_12] : memref<16384xi32, #tpu.memory_space<hbm>> -> memref<128xi32, #tpu.memory_space<hbm>>
      %dma_start3A_210 = arith.constant 0 : i32
      %dma_start3A_211 = tpu.memref_slice %arg10[%run_scoped3A_13, %dma_start3A_210] : memref<4x128xi32, #tpu.memory_space<vmem>> -> memref<1x128xi32, #tpu.memory_space<vmem>>
      %dma_start3A_212 = tpu.memref_squeeze %dma_start3A_211 : memref<1x128xi32, #tpu.memory_space<vmem>> -> memref<128xi32, #tpu.memory_space<vmem>>
      %dma_start3A_213 = tpu.memref_slice %arg3[%add3A_12] : memref<16384xi32, #tpu.memory_space<hbm>> -> memref<128xi32, #tpu.memory_space<hbm>>
      tpu.enqueue_dma source(%dma_start3A_213 : memref<128xi32, #tpu.memory_space<hbm>>) target(%dma_start3A_212 : memref<128xi32, #tpu.memory_space<vmem>>) target_semaphore(%run_scoped3A_205 : memref<!tpu.dma_semaphore, #tpu.memory_space<semaphore_mem>>)
      %dma_wait3A_214 = arith.constant 0 : i32
      %dma_wait3A_215 = tpu.memref_slice %arg10[%run_scoped3A_13, %dma_wait3A_214] : memref<4x128xi32, #tpu.memory_space<vmem>> -> memref<1x128xi32, #tpu.memory_space<vmem>>
      %dma_wait3A_216 = tpu.memref_squeeze %dma_wait3A_215 : memref<1x128xi32, #tpu.memory_space<vmem>> -> memref<128xi32, #tpu.memory_space<vmem>>
      %dma_wait3A_217 = tpu.memref_slice %arg3[%add3A_12] : memref<16384xi32, #tpu.memory_space<hbm>> -> memref<128xi32, #tpu.memory_space<hbm>>
      %dma_wait3A_218 = arith.constant 0 : i32
      %dma_wait3A_219 = tpu.memref_slice %arg10[%run_scoped3A_13, %dma_wait3A_218] : memref<4x128xi32, #tpu.memory_space<vmem>> -> memref<1x128xi32, #tpu.memory_space<vmem>>
      %dma_wait3A_220 = tpu.memref_squeeze %dma_wait3A_219 : memref<1x128xi32, #tpu.memory_space<vmem>> -> memref<128xi32, #tpu.memory_space<vmem>>
      %dma_wait3A_221 = tpu.memref_slice %arg3[%add3A_12] : memref<16384xi32, #tpu.memory_space<hbm>> -> memref<128xi32, #tpu.memory_space<hbm>>
      tpu.wait_dma2 semaphore(%run_scoped3A_205 : memref<!tpu.dma_semaphore, #tpu.memory_space<semaphore_mem>>) src(%dma_wait3A_221 : memref<128xi32, #tpu.memory_space<hbm>>) dst(%dma_wait3A_220 : memref<128xi32, #tpu.memory_space<vmem>>)
      tpu.yield
    }) : () -> ()
    %add3A_14 = arith.constant 256 : i32
    %add3A_15 = arith.addi %mul3A_2, %add3A_14 : i32
    %run_scoped3A_16 = arith.constant 2 : i32
    "tpu.region"() ({
      %run_scoped3A_205 = tpu.sem_alloc : memref<!tpu.dma_semaphore, #tpu.memory_space<semaphore_mem>>
      %dma_start3A_206 = arith.constant 0 : i32
      %dma_start3A_207 = tpu.memref_slice %arg9[%run_scoped3A_16, %dma_start3A_206] : memref<4x128xi32, #tpu.memory_space<vmem>> -> memref<1x128xi32, #tpu.memory_space<vmem>>
      %dma_start3A_208 = tpu.memref_squeeze %dma_start3A_207 : memref<1x128xi32, #tpu.memory_space<vmem>> -> memref<128xi32, #tpu.memory_space<vmem>>
      %dma_start3A_209 = tpu.memref_slice %arg2[%add3A_15] : memref<16384xi32, #tpu.memory_space<hbm>> -> memref<128xi32, #tpu.memory_space<hbm>>
      %dma_start3A_210 = arith.constant 0 : i32
      %dma_start3A_211 = tpu.memref_slice %arg9[%run_scoped3A_16, %dma_start3A_210] : memref<4x128xi32, #tpu.memory_space<vmem>> -> memref<1x128xi32, #tpu.memory_space<vmem>>
      %dma_start3A_212 = tpu.memref_squeeze %dma_start3A_211 : memref<1x128xi32, #tpu.memory_space<vmem>> -> memref<128xi32, #tpu.memory_space<vmem>>
      %dma_start3A_213 = tpu.memref_slice %arg2[%add3A_15] : memref<16384xi32, #tpu.memory_space<hbm>> -> memref<128xi32, #tpu.memory_space<hbm>>
      tpu.enqueue_dma source(%dma_start3A_213 : memref<128xi32, #tpu.memory_space<hbm>>) target(%dma_start3A_212 : memref<128xi32, #tpu.memory_space<vmem>>) target_semaphore(%run_scoped3A_205 : memref<!tpu.dma_semaphore, #tpu.memory_space<semaphore_mem>>)
      %dma_wait3A_214 = arith.constant 0 : i32
      %dma_wait3A_215 = tpu.memref_slice %arg9[%run_scoped3A_16, %dma_wait3A_214] : memref<4x128xi32, #tpu.memory_space<vmem>> -> memref<1x128xi32, #tpu.memory_space<vmem>>
      %dma_wait3A_216 = tpu.memref_squeeze %dma_wait3A_215 : memref<1x128xi32, #tpu.memory_space<vmem>> -> memref<128xi32, #tpu.memory_space<vmem>>
      %dma_wait3A_217 = tpu.memref_slice %arg2[%add3A_15] : memref<16384xi32, #tpu.memory_space<hbm>> -> memref<128xi32, #tpu.memory_space<hbm>>
      %dma_wait3A_218 = arith.constant 0 : i32
      %dma_wait3A_219 = tpu.memref_slice %arg9[%run_scoped3A_16, %dma_wait3A_218] : memref<4x128xi32, #tpu.memory_space<vmem>> -> memref<1x128xi32, #tpu.memory_space<vmem>>
      %dma_wait3A_220 = tpu.memref_squeeze %dma_wait3A_219 : memref<1x128xi32, #tpu.memory_space<vmem>> -> memref<128xi32, #tpu.memory_space<vmem>>
      %dma_wait3A_221 = tpu.memref_slice %arg2[%add3A_15] : memref<16384xi32, #tpu.memory_space<hbm>> -> memref<128xi32, #tpu.memory_space<hbm>>
      tpu.wait_dma2 semaphore(%run_scoped3A_205 : memref<!tpu.dma_semaphore, #tpu.memory_space<semaphore_mem>>) src(%dma_wait3A_221 : memref<128xi32, #tpu.memory_space<hbm>>) dst(%dma_wait3A_220 : memref<128xi32, #tpu.memory_space<vmem>>)
      tpu.yield
    }) : () -> ()
    %add3A_17 = arith.constant 256 : i32
    %add3A_18 = arith.addi %mul3A_2, %add3A_17 : i32
    %run_scoped3A_19 = arith.constant 2 : i32
    "tpu.region"() ({
      %run_scoped3A_205 = tpu.sem_alloc : memref<!tpu.dma_semaphore, #tpu.memory_space<semaphore_mem>>
      %dma_start3A_206 = arith.constant 0 : i32
      %dma_start3A_207 = tpu.memref_slice %arg10[%run_scoped3A_19, %dma_start3A_206] : memref<4x128xi32, #tpu.memory_space<vmem>> -> memref<1x128xi32, #tpu.memory_space<vmem>>
      %dma_start3A_208 = tpu.memref_squeeze %dma_start3A_207 : memref<1x128xi32, #tpu.memory_space<vmem>> -> memref<128xi32, #tpu.memory_space<vmem>>
      %dma_start3A_209 = tpu.memref_slice %arg3[%add3A_18] : memref<16384xi32, #tpu.memory_space<hbm>> -> memref<128xi32, #tpu.memory_space<hbm>>
      %dma_start3A_210 = arith.constant 0 : i32
      %dma_start3A_211 = tpu.memref_slice %arg10[%run_scoped3A_19, %dma_start3A_210] : memref<4x128xi32, #tpu.memory_space<vmem>> -> memref<1x128xi32, #tpu.memory_space<vmem>>
      %dma_start3A_212 = tpu.memref_squeeze %dma_start3A_211 : memref<1x128xi32, #tpu.memory_space<vmem>> -> memref<128xi32, #tpu.memory_space<vmem>>
      %dma_start3A_213 = tpu.memref_slice %arg3[%add3A_18] : memref<16384xi32, #tpu.memory_space<hbm>> -> memref<128xi32, #tpu.memory_space<hbm>>
      tpu.enqueue_dma source(%dma_start3A_213 : memref<128xi32, #tpu.memory_space<hbm>>) target(%dma_start3A_212 : memref<128xi32, #tpu.memory_space<vmem>>) target_semaphore(%run_scoped3A_205 : memref<!tpu.dma_semaphore, #tpu.memory_space<semaphore_mem>>)
      %dma_wait3A_214 = arith.constant 0 : i32
      %dma_wait3A_215 = tpu.memref_slice %arg10[%run_scoped3A_19, %dma_wait3A_214] : memref<4x128xi32, #tpu.memory_space<vmem>> -> memref<1x128xi32, #tpu.memory_space<vmem>>
      %dma_wait3A_216 = tpu.memref_squeeze %dma_wait3A_215 : memref<1x128xi32, #tpu.memory_space<vmem>> -> memref<128xi32, #tpu.memory_space<vmem>>
      %dma_wait3A_217 = tpu.memref_slice %arg3[%add3A_18] : memref<16384xi32, #tpu.memory_space<hbm>> -> memref<128xi32, #tpu.memory_space<hbm>>
      %dma_wait3A_218 = arith.constant 0 : i32
      %dma_wait3A_219 = tpu.memref_slice %arg10[%run_scoped3A_19, %dma_wait3A_218] : memref<4x128xi32, #tpu.memory_space<vmem>> -> memref<1x128xi32, #tpu.memory_space<vmem>>
      %dma_wait3A_220 = tpu.memref_squeeze %dma_wait3A_219 : memref<1x128xi32, #tpu.memory_space<vmem>> -> memref<128xi32, #tpu.memory_space<vmem>>
      %dma_wait3A_221 = tpu.memref_slice %arg3[%add3A_18] : memref<16384xi32, #tpu.memory_space<hbm>> -> memref<128xi32, #tpu.memory_space<hbm>>
      tpu.wait_dma2 semaphore(%run_scoped3A_205 : memref<!tpu.dma_semaphore, #tpu.memory_space<semaphore_mem>>) src(%dma_wait3A_221 : memref<128xi32, #tpu.memory_space<hbm>>) dst(%dma_wait3A_220 : memref<128xi32, #tpu.memory_space<vmem>>)
      tpu.yield
    }) : () -> ()
    %add3A_20 = arith.constant 384 : i32
    %add3A_21 = arith.addi %mul3A_2, %add3A_20 : i32
    %run_scoped3A_22 = arith.constant 3 : i32
    "tpu.region"() ({
      %run_scoped3A_205 = tpu.sem_alloc : memref<!tpu.dma_semaphore, #tpu.memory_space<semaphore_mem>>
      %dma_start3A_206 = arith.constant 0 : i32
      %dma_start3A_207 = tpu.memref_slice %arg9[%run_scoped3A_22, %dma_start3A_206] : memref<4x128xi32, #tpu.memory_space<vmem>> -> memref<1x128xi32, #tpu.memory_space<vmem>>
      %dma_start3A_208 = tpu.memref_squeeze %dma_start3A_207 : memref<1x128xi32, #tpu.memory_space<vmem>> -> memref<128xi32, #tpu.memory_space<vmem>>
      %dma_start3A_209 = tpu.memref_slice %arg2[%add3A_21] : memref<16384xi32, #tpu.memory_space<hbm>> -> memref<128xi32, #tpu.memory_space<hbm>>
      %dma_start3A_210 = arith.constant 0 : i32
      %dma_start3A_211 = tpu.memref_slice %arg9[%run_scoped3A_22, %dma_start3A_210] : memref<4x128xi32, #tpu.memory_space<vmem>> -> memref<1x128xi32, #tpu.memory_space<vmem>>
      %dma_start3A_212 = tpu.memref_squeeze %dma_start3A_211 : memref<1x128xi32, #tpu.memory_space<vmem>> -> memref<128xi32, #tpu.memory_space<vmem>>
      %dma_start3A_213 = tpu.memref_slice %arg2[%add3A_21] : memref<16384xi32, #tpu.memory_space<hbm>> -> memref<128xi32, #tpu.memory_space<hbm>>
      tpu.enqueue_dma source(%dma_start3A_213 : memref<128xi32, #tpu.memory_space<hbm>>) target(%dma_start3A_212 : memref<128xi32, #tpu.memory_space<vmem>>) target_semaphore(%run_scoped3A_205 : memref<!tpu.dma_semaphore, #tpu.memory_space<semaphore_mem>>)
      %dma_wait3A_214 = arith.constant 0 : i32
      %dma_wait3A_215 = tpu.memref_slice %arg9[%run_scoped3A_22, %dma_wait3A_214] : memref<4x128xi32, #tpu.memory_space<vmem>> -> memref<1x128xi32, #tpu.memory_space<vmem>>
      %dma_wait3A_216 = tpu.memref_squeeze %dma_wait3A_215 : memref<1x128xi32, #tpu.memory_space<vmem>> -> memref<128xi32, #tpu.memory_space<vmem>>
      %dma_wait3A_217 = tpu.memref_slice %arg2[%add3A_21] : memref<16384xi32, #tpu.memory_space<hbm>> -> memref<128xi32, #tpu.memory_space<hbm>>
      %dma_wait3A_218 = arith.constant 0 : i32
      %dma_wait3A_219 = tpu.memref_slice %arg9[%run_scoped3A_22, %dma_wait3A_218] : memref<4x128xi32, #tpu.memory_space<vmem>> -> memref<1x128xi32, #tpu.memory_space<vmem>>
      %dma_wait3A_220 = tpu.memref_squeeze %dma_wait3A_219 : memref<1x128xi32, #tpu.memory_space<vmem>> -> memref<128xi32, #tpu.memory_space<vmem>>
      %dma_wait3A_221 = tpu.memref_slice %arg2[%add3A_21] : memref<16384xi32, #tpu.memory_space<hbm>> -> memref<128xi32, #tpu.memory_space<hbm>>
      tpu.wait_dma2 semaphore(%run_scoped3A_205 : memref<!tpu.dma_semaphore, #tpu.memory_space<semaphore_mem>>) src(%dma_wait3A_221 : memref<128xi32, #tpu.memory_space<hbm>>) dst(%dma_wait3A_220 : memref<128xi32, #tpu.memory_space<vmem>>)
      tpu.yield
    }) : () -> ()
    %add3A_23 = arith.constant 384 : i32
    %add3A_24 = arith.addi %mul3A_2, %add3A_23 : i32
    %run_scoped3A_25 = arith.constant 3 : i32
    "tpu.region"() ({
      %run_scoped3A_205 = tpu.sem_alloc : memref<!tpu.dma_semaphore, #tpu.memory_space<semaphore_mem>>
      %dma_start3A_206 = arith.constant 0 : i32
      %dma_start3A_207 = tpu.memref_slice %arg10[%run_scoped3A_25, %dma_start3A_206] : memref<4x128xi32, #tpu.memory_space<vmem>> -> memref<1x128xi32, #tpu.memory_space<vmem>>
      %dma_start3A_208 = tpu.memref_squeeze %dma_start3A_207 : memref<1x128xi32, #tpu.memory_space<vmem>> -> memref<128xi32, #tpu.memory_space<vmem>>
      %dma_start3A_209 = tpu.memref_slice %arg3[%add3A_24] : memref<16384xi32, #tpu.memory_space<hbm>> -> memref<128xi32, #tpu.memory_space<hbm>>
      %dma_start3A_210 = arith.constant 0 : i32
      %dma_start3A_211 = tpu.memref_slice %arg10[%run_scoped3A_25, %dma_start3A_210] : memref<4x128xi32, #tpu.memory_space<vmem>> -> memref<1x128xi32, #tpu.memory_space<vmem>>
      %dma_start3A_212 = tpu.memref_squeeze %dma_start3A_211 : memref<1x128xi32, #tpu.memory_space<vmem>> -> memref<128xi32, #tpu.memory_space<vmem>>
      %dma_start3A_213 = tpu.memref_slice %arg3[%add3A_24] : memref<16384xi32, #tpu.memory_space<hbm>> -> memref<128xi32, #tpu.memory_space<hbm>>
      tpu.enqueue_dma source(%dma_start3A_213 : memref<128xi32, #tpu.memory_space<hbm>>) target(%dma_start3A_212 : memref<128xi32, #tpu.memory_space<vmem>>) target_semaphore(%run_scoped3A_205 : memref<!tpu.dma_semaphore, #tpu.memory_space<semaphore_mem>>)
      %dma_wait3A_214 = arith.constant 0 : i32
      %dma_wait3A_215 = tpu.memref_slice %arg10[%run_scoped3A_25, %dma_wait3A_214] : memref<4x128xi32, #tpu.memory_space<vmem>> -> memref<1x128xi32, #tpu.memory_space<vmem>>
      %dma_wait3A_216 = tpu.memref_squeeze %dma_wait3A_215 : memref<1x128xi32, #tpu.memory_space<vmem>> -> memref<128xi32, #tpu.memory_space<vmem>>
      %dma_wait3A_217 = tpu.memref_slice %arg3[%add3A_24] : memref<16384xi32, #tpu.memory_space<hbm>> -> memref<128xi32, #tpu.memory_space<hbm>>
      %dma_wait3A_218 = arith.constant 0 : i32
      %dma_wait3A_219 = tpu.memref_slice %arg10[%run_scoped3A_25, %dma_wait3A_218] : memref<4x128xi32, #tpu.memory_space<vmem>> -> memref<1x128xi32, #tpu.memory_space<vmem>>
      %dma_wait3A_220 = tpu.memref_squeeze %dma_wait3A_219 : memref<1x128xi32, #tpu.memory_space<vmem>> -> memref<128xi32, #tpu.memory_space<vmem>>
      %dma_wait3A_221 = tpu.memref_slice %arg3[%add3A_24] : memref<16384xi32, #tpu.memory_space<hbm>> -> memref<128xi32, #tpu.memory_space<hbm>>
      tpu.wait_dma2 semaphore(%run_scoped3A_205 : memref<!tpu.dma_semaphore, #tpu.memory_space<semaphore_mem>>) src(%dma_wait3A_221 : memref<128xi32, #tpu.memory_space<hbm>>) dst(%dma_wait3A_220 : memref<128xi32, #tpu.memory_space<vmem>>)
      tpu.yield
    }) : () -> ()
    "tpu.region"() ({
      %run_scoped3A_205 = tpu.sem_alloc : memref<!tpu.dma_semaphore, #tpu.memory_space<semaphore_mem>>
      tpu.enqueue_dma source(%arg6 : memref<16xf32, #tpu.memory_space<hbm>>) target(%arg14 : memref<16xf32, #tpu.memory_space<vmem>>) target_semaphore(%run_scoped3A_205 : memref<!tpu.dma_semaphore, #tpu.memory_space<semaphore_mem>>)
      tpu.wait_dma2 semaphore(%run_scoped3A_205 : memref<!tpu.dma_semaphore, #tpu.memory_space<semaphore_mem>>) src(%arg6 : memref<16xf32, #tpu.memory_space<hbm>>) dst(%arg14 : memref<16xf32, #tpu.memory_space<vmem>>)
      tpu.yield
    }) : () -> ()
    "tpu.region"() ({
      %run_scoped3A_205 = tpu.sem_alloc : memref<!tpu.dma_semaphore, #tpu.memory_space<semaphore_mem>>
      tpu.enqueue_dma source(%arg7 : memref<16xf32, #tpu.memory_space<hbm>>) target(%arg15 : memref<16xf32, #tpu.memory_space<vmem>>) target_semaphore(%run_scoped3A_205 : memref<!tpu.dma_semaphore, #tpu.memory_space<semaphore_mem>>)
      tpu.wait_dma2 semaphore(%run_scoped3A_205 : memref<!tpu.dma_semaphore, #tpu.memory_space<semaphore_mem>>) src(%arg7 : memref<16xf32, #tpu.memory_space<hbm>>) dst(%arg15 : memref<16xf32, #tpu.memory_space<vmem>>)
      tpu.yield
    }) : () -> ()
    %dma_start3A = arith.constant 0 : i32
    %dma_start3A_26 = arith.constant 0 : i32
    %dma_start3A_27 = arith.constant 0 : i32
    %dma_start3A_28 = tpu.memref_slice %arg11[%dma_start3A_26, %dma_start3A_27] : memref<512x16xf32, #tpu.memory_space<vmem>> -> memref<128x16xf32, #tpu.memory_space<vmem>>
    %dma_start3A_29 = arith.constant 0 : i32
    %dma_start3A_30 = tpu.memref_slice %arg9[%dma_start3A, %dma_start3A_29] : memref<4x128xi32, #tpu.memory_space<vmem>> -> memref<1x128xi32, #tpu.memory_space<vmem>>
    %dma_start3A_31 = tpu.memref_squeeze %dma_start3A_30 : memref<1x128xi32, #tpu.memory_space<vmem>> -> memref<128xi32, #tpu.memory_space<vmem>>
    %dma_start3A_32 = arith.constant 0 : i32
    %dma_start3A_33 = arith.constant 0 : i32
    %dma_start3A_34 = tpu.memref_slice %arg4[%dma_start3A_32, %dma_start3A_33] : memref<1000000x16xf32, #tpu.memory_space<hbm>> -> memref<1000000x16xf32, #tpu.memory_space<hbm>>
    tpu.enqueue_indirect_dma source(%dma_start3A_34 : memref<1000000x16xf32, #tpu.memory_space<hbm>>) target(%dma_start3A_28 : memref<128x16xf32, #tpu.memory_space<vmem>>) offsets(%dma_start3A_31 : memref<128xi32, #tpu.memory_space<vmem>>) semaphore(%arg16 : memref<!tpu.dma_semaphore, #tpu.memory_space<semaphore_mem>>)
    %dma_start3A_35 = arith.constant 0 : i32
    %dma_start3A_36 = arith.constant 0 : i32
    %dma_start3A_37 = arith.constant 0 : i32
    %dma_start3A_38 = tpu.memref_slice %arg12[%dma_start3A_36, %dma_start3A_37] : memref<512x16xf32, #tpu.memory_space<vmem>> -> memref<128x16xf32, #tpu.memory_space<vmem>>
    %dma_start3A_39 = arith.constant 0 : i32
    %dma_start3A_40 = tpu.memref_slice %arg10[%dma_start3A_35, %dma_start3A_39] : memref<4x128xi32, #tpu.memory_space<vmem>> -> memref<1x128xi32, #tpu.memory_space<vmem>>
    %dma_start3A_41 = tpu.memref_squeeze %dma_start3A_40 : memref<1x128xi32, #tpu.memory_space<vmem>> -> memref<128xi32, #tpu.memory_space<vmem>>
    %dma_start3A_42 = arith.constant 0 : i32
    %dma_start3A_43 = arith.constant 0 : i32
    %dma_start3A_44 = tpu.memref_slice %arg5[%dma_start3A_42, %dma_start3A_43] : memref<1000000x16xf32, #tpu.memory_space<hbm>> -> memref<1000000x16xf32, #tpu.memory_space<hbm>>
    tpu.enqueue_indirect_dma source(%dma_start3A_44 : memref<1000000x16xf32, #tpu.memory_space<hbm>>) target(%dma_start3A_38 : memref<128x16xf32, #tpu.memory_space<vmem>>) offsets(%dma_start3A_41 : memref<128xi32, #tpu.memory_space<vmem>>) semaphore(%arg16 : memref<!tpu.dma_semaphore, #tpu.memory_space<semaphore_mem>>)
    %dma_start3A_45 = arith.constant 1 : i32
    %dma_start3A_46 = arith.constant 128 : i32
    %dma_start3A_47 = arith.constant 0 : i32
    %dma_start3A_48 = tpu.memref_slice %arg11[%dma_start3A_46, %dma_start3A_47] : memref<512x16xf32, #tpu.memory_space<vmem>> -> memref<128x16xf32, #tpu.memory_space<vmem>>
    %dma_start3A_49 = arith.constant 0 : i32
    %dma_start3A_50 = tpu.memref_slice %arg9[%dma_start3A_45, %dma_start3A_49] : memref<4x128xi32, #tpu.memory_space<vmem>> -> memref<1x128xi32, #tpu.memory_space<vmem>>
    %dma_start3A_51 = tpu.memref_squeeze %dma_start3A_50 : memref<1x128xi32, #tpu.memory_space<vmem>> -> memref<128xi32, #tpu.memory_space<vmem>>
    %dma_start3A_52 = arith.constant 0 : i32
    %dma_start3A_53 = arith.constant 0 : i32
    %dma_start3A_54 = tpu.memref_slice %arg4[%dma_start3A_52, %dma_start3A_53] : memref<1000000x16xf32, #tpu.memory_space<hbm>> -> memref<1000000x16xf32, #tpu.memory_space<hbm>>
    tpu.enqueue_indirect_dma source(%dma_start3A_54 : memref<1000000x16xf32, #tpu.memory_space<hbm>>) target(%dma_start3A_48 : memref<128x16xf32, #tpu.memory_space<vmem>>) offsets(%dma_start3A_51 : memref<128xi32, #tpu.memory_space<vmem>>) semaphore(%arg16 : memref<!tpu.dma_semaphore, #tpu.memory_space<semaphore_mem>>)
    %dma_start3A_55 = arith.constant 1 : i32
    %dma_start3A_56 = arith.constant 128 : i32
    %dma_start3A_57 = arith.constant 0 : i32
    %dma_start3A_58 = tpu.memref_slice %arg12[%dma_start3A_56, %dma_start3A_57] : memref<512x16xf32, #tpu.memory_space<vmem>> -> memref<128x16xf32, #tpu.memory_space<vmem>>
    %dma_start3A_59 = arith.constant 0 : i32
    %dma_start3A_60 = tpu.memref_slice %arg10[%dma_start3A_55, %dma_start3A_59] : memref<4x128xi32, #tpu.memory_space<vmem>> -> memref<1x128xi32, #tpu.memory_space<vmem>>
    %dma_start3A_61 = tpu.memref_squeeze %dma_start3A_60 : memref<1x128xi32, #tpu.memory_space<vmem>> -> memref<128xi32, #tpu.memory_space<vmem>>
    %dma_start3A_62 = arith.constant 0 : i32
    %dma_start3A_63 = arith.constant 0 : i32
    %dma_start3A_64 = tpu.memref_slice %arg5[%dma_start3A_62, %dma_start3A_63] : memref<1000000x16xf32, #tpu.memory_space<hbm>> -> memref<1000000x16xf32, #tpu.memory_space<hbm>>
    tpu.enqueue_indirect_dma source(%dma_start3A_64 : memref<1000000x16xf32, #tpu.memory_space<hbm>>) target(%dma_start3A_58 : memref<128x16xf32, #tpu.memory_space<vmem>>) offsets(%dma_start3A_61 : memref<128xi32, #tpu.memory_space<vmem>>) semaphore(%arg16 : memref<!tpu.dma_semaphore, #tpu.memory_space<semaphore_mem>>)
    %dma_start3A_65 = arith.constant 2 : i32
    %dma_start3A_66 = arith.constant 256 : i32
    %dma_start3A_67 = arith.constant 0 : i32
    %dma_start3A_68 = tpu.memref_slice %arg11[%dma_start3A_66, %dma_start3A_67] : memref<512x16xf32, #tpu.memory_space<vmem>> -> memref<128x16xf32, #tpu.memory_space<vmem>>
    %dma_start3A_69 = arith.constant 0 : i32
    %dma_start3A_70 = tpu.memref_slice %arg9[%dma_start3A_65, %dma_start3A_69] : memref<4x128xi32, #tpu.memory_space<vmem>> -> memref<1x128xi32, #tpu.memory_space<vmem>>
    %dma_start3A_71 = tpu.memref_squeeze %dma_start3A_70 : memref<1x128xi32, #tpu.memory_space<vmem>> -> memref<128xi32, #tpu.memory_space<vmem>>
    %dma_start3A_72 = arith.constant 0 : i32
    %dma_start3A_73 = arith.constant 0 : i32
    %dma_start3A_74 = tpu.memref_slice %arg4[%dma_start3A_72, %dma_start3A_73] : memref<1000000x16xf32, #tpu.memory_space<hbm>> -> memref<1000000x16xf32, #tpu.memory_space<hbm>>
    tpu.enqueue_indirect_dma source(%dma_start3A_74 : memref<1000000x16xf32, #tpu.memory_space<hbm>>) target(%dma_start3A_68 : memref<128x16xf32, #tpu.memory_space<vmem>>) offsets(%dma_start3A_71 : memref<128xi32, #tpu.memory_space<vmem>>) semaphore(%arg16 : memref<!tpu.dma_semaphore, #tpu.memory_space<semaphore_mem>>)
    %dma_start3A_75 = arith.constant 2 : i32
    %dma_start3A_76 = arith.constant 256 : i32
    %dma_start3A_77 = arith.constant 0 : i32
    %dma_start3A_78 = tpu.memref_slice %arg12[%dma_start3A_76, %dma_start3A_77] : memref<512x16xf32, #tpu.memory_space<vmem>> -> memref<128x16xf32, #tpu.memory_space<vmem>>
    %dma_start3A_79 = arith.constant 0 : i32
    %dma_start3A_80 = tpu.memref_slice %arg10[%dma_start3A_75, %dma_start3A_79] : memref<4x128xi32, #tpu.memory_space<vmem>> -> memref<1x128xi32, #tpu.memory_space<vmem>>
    %dma_start3A_81 = tpu.memref_squeeze %dma_start3A_80 : memref<1x128xi32, #tpu.memory_space<vmem>> -> memref<128xi32, #tpu.memory_space<vmem>>
    %dma_start3A_82 = arith.constant 0 : i32
    %dma_start3A_83 = arith.constant 0 : i32
    %dma_start3A_84 = tpu.memref_slice %arg5[%dma_start3A_82, %dma_start3A_83] : memref<1000000x16xf32, #tpu.memory_space<hbm>> -> memref<1000000x16xf32, #tpu.memory_space<hbm>>
    tpu.enqueue_indirect_dma source(%dma_start3A_84 : memref<1000000x16xf32, #tpu.memory_space<hbm>>) target(%dma_start3A_78 : memref<128x16xf32, #tpu.memory_space<vmem>>) offsets(%dma_start3A_81 : memref<128xi32, #tpu.memory_space<vmem>>) semaphore(%arg16 : memref<!tpu.dma_semaphore, #tpu.memory_space<semaphore_mem>>)
    %dma_start3A_85 = arith.constant 3 : i32
    %dma_start3A_86 = arith.constant 384 : i32
    %dma_start3A_87 = arith.constant 0 : i32
    %dma_start3A_88 = tpu.memref_slice %arg11[%dma_start3A_86, %dma_start3A_87] : memref<512x16xf32, #tpu.memory_space<vmem>> -> memref<128x16xf32, #tpu.memory_space<vmem>>
    %dma_start3A_89 = arith.constant 0 : i32
    %dma_start3A_90 = tpu.memref_slice %arg9[%dma_start3A_85, %dma_start3A_89] : memref<4x128xi32, #tpu.memory_space<vmem>> -> memref<1x128xi32, #tpu.memory_space<vmem>>
    %dma_start3A_91 = tpu.memref_squeeze %dma_start3A_90 : memref<1x128xi32, #tpu.memory_space<vmem>> -> memref<128xi32, #tpu.memory_space<vmem>>
    %dma_start3A_92 = arith.constant 0 : i32
    %dma_start3A_93 = arith.constant 0 : i32
    %dma_start3A_94 = tpu.memref_slice %arg4[%dma_start3A_92, %dma_start3A_93] : memref<1000000x16xf32, #tpu.memory_space<hbm>> -> memref<1000000x16xf32, #tpu.memory_space<hbm>>
    tpu.enqueue_indirect_dma source(%dma_start3A_94 : memref<1000000x16xf32, #tpu.memory_space<hbm>>) target(%dma_start3A_88 : memref<128x16xf32, #tpu.memory_space<vmem>>) offsets(%dma_start3A_91 : memref<128xi32, #tpu.memory_space<vmem>>) semaphore(%arg16 : memref<!tpu.dma_semaphore, #tpu.memory_space<semaphore_mem>>)
    %dma_start3A_95 = arith.constant 3 : i32
    %dma_start3A_96 = arith.constant 384 : i32
    %dma_start3A_97 = arith.constant 0 : i32
    %dma_start3A_98 = tpu.memref_slice %arg12[%dma_start3A_96, %dma_start3A_97] : memref<512x16xf32, #tpu.memory_space<vmem>> -> memref<128x16xf32, #tpu.memory_space<vmem>>
    %dma_start3A_99 = arith.constant 0 : i32
    %dma_start3A_100 = tpu.memref_slice %arg10[%dma_start3A_95, %dma_start3A_99] : memref<4x128xi32, #tpu.memory_space<vmem>> -> memref<1x128xi32, #tpu.memory_space<vmem>>
    %dma_start3A_101 = tpu.memref_squeeze %dma_start3A_100 : memref<1x128xi32, #tpu.memory_space<vmem>> -> memref<128xi32, #tpu.memory_space<vmem>>
    %dma_start3A_102 = arith.constant 0 : i32
    %dma_start3A_103 = arith.constant 0 : i32
    %dma_start3A_104 = tpu.memref_slice %arg5[%dma_start3A_102, %dma_start3A_103] : memref<1000000x16xf32, #tpu.memory_space<hbm>> -> memref<1000000x16xf32, #tpu.memory_space<hbm>>
    tpu.enqueue_indirect_dma source(%dma_start3A_104 : memref<1000000x16xf32, #tpu.memory_space<hbm>>) target(%dma_start3A_98 : memref<128x16xf32, #tpu.memory_space<vmem>>) offsets(%dma_start3A_101 : memref<128xi32, #tpu.memory_space<vmem>>) semaphore(%arg16 : memref<!tpu.dma_semaphore, #tpu.memory_space<semaphore_mem>>)
    %dma_wait3A = arith.constant 0 : i32
    %dma_wait3A_105 = arith.constant 0 : i32
    %dma_wait3A_106 = arith.constant 0 : i32
    %dma_wait3A_107 = tpu.memref_slice %arg11[%dma_wait3A_105, %dma_wait3A_106] : memref<512x16xf32, #tpu.memory_space<vmem>> -> memref<128x16xf32, #tpu.memory_space<vmem>>
    %dma_wait3A_108 = arith.constant 0 : i32
    %dma_wait3A_109 = tpu.memref_slice %arg9[%dma_wait3A, %dma_wait3A_108] : memref<4x128xi32, #tpu.memory_space<vmem>> -> memref<1x128xi32, #tpu.memory_space<vmem>>
    %dma_wait3A_110 = tpu.memref_squeeze %dma_wait3A_109 : memref<1x128xi32, #tpu.memory_space<vmem>> -> memref<128xi32, #tpu.memory_space<vmem>>
    %dma_wait3A_111 = arith.constant 0 : i32
    %dma_wait3A_112 = arith.constant 0 : i32
    %dma_wait3A_113 = tpu.memref_slice %arg4[%dma_wait3A_111, %dma_wait3A_112] : memref<1000000x16xf32, #tpu.memory_space<hbm>> -> memref<1000000x16xf32, #tpu.memory_space<hbm>>
    tpu.wait_indirect_dma semaphore(%arg16 : memref<!tpu.dma_semaphore, #tpu.memory_space<semaphore_mem>>) src(%dma_wait3A_113 : memref<1000000x16xf32, #tpu.memory_space<hbm>>) dst(%dma_wait3A_107 : memref<128x16xf32, #tpu.memory_space<vmem>>)
    %dma_wait3A_114 = arith.constant 0 : i32
    %dma_wait3A_115 = arith.constant 0 : i32
    %dma_wait3A_116 = arith.constant 0 : i32
    %dma_wait3A_117 = tpu.memref_slice %arg12[%dma_wait3A_115, %dma_wait3A_116] : memref<512x16xf32, #tpu.memory_space<vmem>> -> memref<128x16xf32, #tpu.memory_space<vmem>>
    %dma_wait3A_118 = arith.constant 0 : i32
    %dma_wait3A_119 = tpu.memref_slice %arg10[%dma_wait3A_114, %dma_wait3A_118] : memref<4x128xi32, #tpu.memory_space<vmem>> -> memref<1x128xi32, #tpu.memory_space<vmem>>
    %dma_wait3A_120 = tpu.memref_squeeze %dma_wait3A_119 : memref<1x128xi32, #tpu.memory_space<vmem>> -> memref<128xi32, #tpu.memory_space<vmem>>
    %dma_wait3A_121 = arith.constant 0 : i32
    %dma_wait3A_122 = arith.constant 0 : i32
    %dma_wait3A_123 = tpu.memref_slice %arg5[%dma_wait3A_121, %dma_wait3A_122] : memref<1000000x16xf32, #tpu.memory_space<hbm>> -> memref<1000000x16xf32, #tpu.memory_space<hbm>>
    tpu.wait_indirect_dma semaphore(%arg16 : memref<!tpu.dma_semaphore, #tpu.memory_space<semaphore_mem>>) src(%dma_wait3A_123 : memref<1000000x16xf32, #tpu.memory_space<hbm>>) dst(%dma_wait3A_117 : memref<128x16xf32, #tpu.memory_space<vmem>>)
    %dma_wait3A_124 = arith.constant 1 : i32
    %dma_wait3A_125 = arith.constant 128 : i32
    %dma_wait3A_126 = arith.constant 0 : i32
    %dma_wait3A_127 = tpu.memref_slice %arg11[%dma_wait3A_125, %dma_wait3A_126] : memref<512x16xf32, #tpu.memory_space<vmem>> -> memref<128x16xf32, #tpu.memory_space<vmem>>
    %dma_wait3A_128 = arith.constant 0 : i32
    %dma_wait3A_129 = tpu.memref_slice %arg9[%dma_wait3A_124, %dma_wait3A_128] : memref<4x128xi32, #tpu.memory_space<vmem>> -> memref<1x128xi32, #tpu.memory_space<vmem>>
    %dma_wait3A_130 = tpu.memref_squeeze %dma_wait3A_129 : memref<1x128xi32, #tpu.memory_space<vmem>> -> memref<128xi32, #tpu.memory_space<vmem>>
    %dma_wait3A_131 = arith.constant 0 : i32
    %dma_wait3A_132 = arith.constant 0 : i32
    %dma_wait3A_133 = tpu.memref_slice %arg4[%dma_wait3A_131, %dma_wait3A_132] : memref<1000000x16xf32, #tpu.memory_space<hbm>> -> memref<1000000x16xf32, #tpu.memory_space<hbm>>
    tpu.wait_indirect_dma semaphore(%arg16 : memref<!tpu.dma_semaphore, #tpu.memory_space<semaphore_mem>>) src(%dma_wait3A_133 : memref<1000000x16xf32, #tpu.memory_space<hbm>>) dst(%dma_wait3A_127 : memref<128x16xf32, #tpu.memory_space<vmem>>)
    %dma_wait3A_134 = arith.constant 1 : i32
    %dma_wait3A_135 = arith.constant 128 : i32
    %dma_wait3A_136 = arith.constant 0 : i32
    %dma_wait3A_137 = tpu.memref_slice %arg12[%dma_wait3A_135, %dma_wait3A_136] : memref<512x16xf32, #tpu.memory_space<vmem>> -> memref<128x16xf32, #tpu.memory_space<vmem>>
    %dma_wait3A_138 = arith.constant 0 : i32
    %dma_wait3A_139 = tpu.memref_slice %arg10[%dma_wait3A_134, %dma_wait3A_138] : memref<4x128xi32, #tpu.memory_space<vmem>> -> memref<1x128xi32, #tpu.memory_space<vmem>>
    %dma_wait3A_140 = tpu.memref_squeeze %dma_wait3A_139 : memref<1x128xi32, #tpu.memory_space<vmem>> -> memref<128xi32, #tpu.memory_space<vmem>>
    %dma_wait3A_141 = arith.constant 0 : i32
    %dma_wait3A_142 = arith.constant 0 : i32
    %dma_wait3A_143 = tpu.memref_slice %arg5[%dma_wait3A_141, %dma_wait3A_142] : memref<1000000x16xf32, #tpu.memory_space<hbm>> -> memref<1000000x16xf32, #tpu.memory_space<hbm>>
    tpu.wait_indirect_dma semaphore(%arg16 : memref<!tpu.dma_semaphore, #tpu.memory_space<semaphore_mem>>) src(%dma_wait3A_143 : memref<1000000x16xf32, #tpu.memory_space<hbm>>) dst(%dma_wait3A_137 : memref<128x16xf32, #tpu.memory_space<vmem>>)
    %dma_wait3A_144 = arith.constant 2 : i32
    %dma_wait3A_145 = arith.constant 256 : i32
    %dma_wait3A_146 = arith.constant 0 : i32
    %dma_wait3A_147 = tpu.memref_slice %arg11[%dma_wait3A_145, %dma_wait3A_146] : memref<512x16xf32, #tpu.memory_space<vmem>> -> memref<128x16xf32, #tpu.memory_space<vmem>>
    %dma_wait3A_148 = arith.constant 0 : i32
    %dma_wait3A_149 = tpu.memref_slice %arg9[%dma_wait3A_144, %dma_wait3A_148] : memref<4x128xi32, #tpu.memory_space<vmem>> -> memref<1x128xi32, #tpu.memory_space<vmem>>
    %dma_wait3A_150 = tpu.memref_squeeze %dma_wait3A_149 : memref<1x128xi32, #tpu.memory_space<vmem>> -> memref<128xi32, #tpu.memory_space<vmem>>
    %dma_wait3A_151 = arith.constant 0 : i32
    %dma_wait3A_152 = arith.constant 0 : i32
    %dma_wait3A_153 = tpu.memref_slice %arg4[%dma_wait3A_151, %dma_wait3A_152] : memref<1000000x16xf32, #tpu.memory_space<hbm>> -> memref<1000000x16xf32, #tpu.memory_space<hbm>>
    tpu.wait_indirect_dma semaphore(%arg16 : memref<!tpu.dma_semaphore, #tpu.memory_space<semaphore_mem>>) src(%dma_wait3A_153 : memref<1000000x16xf32, #tpu.memory_space<hbm>>) dst(%dma_wait3A_147 : memref<128x16xf32, #tpu.memory_space<vmem>>)
    %dma_wait3A_154 = arith.constant 2 : i32
    %dma_wait3A_155 = arith.constant 256 : i32
    %dma_wait3A_156 = arith.constant 0 : i32
    %dma_wait3A_157 = tpu.memref_slice %arg12[%dma_wait3A_155, %dma_wait3A_156] : memref<512x16xf32, #tpu.memory_space<vmem>> -> memref<128x16xf32, #tpu.memory_space<vmem>>
    %dma_wait3A_158 = arith.constant 0 : i32
    %dma_wait3A_159 = tpu.memref_slice %arg10[%dma_wait3A_154, %dma_wait3A_158] : memref<4x128xi32, #tpu.memory_space<vmem>> -> memref<1x128xi32, #tpu.memory_space<vmem>>
    %dma_wait3A_160 = tpu.memref_squeeze %dma_wait3A_159 : memref<1x128xi32, #tpu.memory_space<vmem>> -> memref<128xi32, #tpu.memory_space<vmem>>
    %dma_wait3A_161 = arith.constant 0 : i32
    %dma_wait3A_162 = arith.constant 0 : i32
    %dma_wait3A_163 = tpu.memref_slice %arg5[%dma_wait3A_161, %dma_wait3A_162] : memref<1000000x16xf32, #tpu.memory_space<hbm>> -> memref<1000000x16xf32, #tpu.memory_space<hbm>>
    tpu.wait_indirect_dma semaphore(%arg16 : memref<!tpu.dma_semaphore, #tpu.memory_space<semaphore_mem>>) src(%dma_wait3A_163 : memref<1000000x16xf32, #tpu.memory_space<hbm>>) dst(%dma_wait3A_157 : memref<128x16xf32, #tpu.memory_space<vmem>>)
    %dma_wait3A_164 = arith.constant 3 : i32
    %dma_wait3A_165 = arith.constant 384 : i32
    %dma_wait3A_166 = arith.constant 0 : i32
    %dma_wait3A_167 = tpu.memref_slice %arg11[%dma_wait3A_165, %dma_wait3A_166] : memref<512x16xf32, #tpu.memory_space<vmem>> -> memref<128x16xf32, #tpu.memory_space<vmem>>
    %dma_wait3A_168 = arith.constant 0 : i32
    %dma_wait3A_169 = tpu.memref_slice %arg9[%dma_wait3A_164, %dma_wait3A_168] : memref<4x128xi32, #tpu.memory_space<vmem>> -> memref<1x128xi32, #tpu.memory_space<vmem>>
    %dma_wait3A_170 = tpu.memref_squeeze %dma_wait3A_169 : memref<1x128xi32, #tpu.memory_space<vmem>> -> memref<128xi32, #tpu.memory_space<vmem>>
    %dma_wait3A_171 = arith.constant 0 : i32
    %dma_wait3A_172 = arith.constant 0 : i32
    %dma_wait3A_173 = tpu.memref_slice %arg4[%dma_wait3A_171, %dma_wait3A_172] : memref<1000000x16xf32, #tpu.memory_space<hbm>> -> memref<1000000x16xf32, #tpu.memory_space<hbm>>
    tpu.wait_indirect_dma semaphore(%arg16 : memref<!tpu.dma_semaphore, #tpu.memory_space<semaphore_mem>>) src(%dma_wait3A_173 : memref<1000000x16xf32, #tpu.memory_space<hbm>>) dst(%dma_wait3A_167 : memref<128x16xf32, #tpu.memory_space<vmem>>)
    %dma_wait3A_174 = arith.constant 3 : i32
    %dma_wait3A_175 = arith.constant 384 : i32
    %dma_wait3A_176 = arith.constant 0 : i32
    %dma_wait3A_177 = tpu.memref_slice %arg12[%dma_wait3A_175, %dma_wait3A_176] : memref<512x16xf32, #tpu.memory_space<vmem>> -> memref<128x16xf32, #tpu.memory_space<vmem>>
    %dma_wait3A_178 = arith.constant 0 : i32
    %dma_wait3A_179 = tpu.memref_slice %arg10[%dma_wait3A_174, %dma_wait3A_178] : memref<4x128xi32, #tpu.memory_space<vmem>> -> memref<1x128xi32, #tpu.memory_space<vmem>>
    %dma_wait3A_180 = tpu.memref_squeeze %dma_wait3A_179 : memref<1x128xi32, #tpu.memory_space<vmem>> -> memref<128xi32, #tpu.memory_space<vmem>>
    %dma_wait3A_181 = arith.constant 0 : i32
    %dma_wait3A_182 = arith.constant 0 : i32
    %dma_wait3A_183 = tpu.memref_slice %arg5[%dma_wait3A_181, %dma_wait3A_182] : memref<1000000x16xf32, #tpu.memory_space<hbm>> -> memref<1000000x16xf32, #tpu.memory_space<hbm>>
    tpu.wait_indirect_dma semaphore(%arg16 : memref<!tpu.dma_semaphore, #tpu.memory_space<semaphore_mem>>) src(%dma_wait3A_183 : memref<1000000x16xf32, #tpu.memory_space<hbm>>) dst(%dma_wait3A_177 : memref<128x16xf32, #tpu.memory_space<vmem>>)
    %get3A = arith.constant 0 : index
    %get3A_184 = tpu.vector_load %arg14[%get3A] {strides = array<i32>} : memref<16xf32, #tpu.memory_space<vmem>>, vector<16xf32>,
    %get3A_185 = vector.shape_cast %get3A_184 : vector<16xf32> to vector<16xf32>
    %get3A_186 = arith.constant 0 : index
    %get3A_187 = tpu.vector_load %arg15[%get3A_186] {strides = array<i32>} : memref<16xf32, #tpu.memory_space<vmem>>, vector<16xf32>,
    %get3A_188 = vector.shape_cast %get3A_187 : vector<16xf32> to vector<16xf32>
    %iota3A = tpu.iota {dimensions = array<i32: 0>} : vector<16xi32>
    %xor3A = arith.constant 1 : i32
    %xor3A_189 = vector.broadcast %xor3A : i32 to vector<16xi32>
    %xor3A_190 = arith.xori %iota3A, %xor3A_189 : vector<16xi32>
    %xor3A_191 = arith.constant 2 : i32
    %xor3A_192 = vector.broadcast %xor3A_191 : i32 to vector<16xi32>
    %xor3A_193 = arith.xori %iota3A, %xor3A_192 : vector<16xi32>
    %xor3A_194 = arith.constant 4 : i32
    %xor3A_195 = vector.broadcast %xor3A_194 : i32 to vector<16xi32>
    %xor3A_196 = arith.xori %iota3A, %xor3A_195 : vector<16xi32>
    %xor3A_197 = arith.constant 8 : i32
    %xor3A_198 = vector.broadcast %xor3A_197 : i32 to vector<16xi32>
    %xor3A_199 = arith.xori %iota3A, %xor3A_198 : vector<16xi32>
    %scan3A = arith.constant 0 : i32
    %scan3A_200 = arith.constant 0 : i32
    %scan3A_201 = arith.constant 32 : i32
    %scan3A_202 = arith.addi %scan3A_200, %scan3A_201 : i32
    %scan3A_203 = arith.constant 1 : i32
    scf.for %scan3A_205 = %scan3A_200 to %scan3A_202 step %scan3A_203  : i32 {
      %mul3A_206 = arith.constant 16 : i32
      %mul3A_207 = arith.muli %scan3A_205, %mul3A_206 : i32
      %add3A_208 = arith.constant 0 : i32
      %add3A_209 = arith.addi %mul3A_207, %add3A_208 : i32
      %get3A_210 = arith.index_cast %add3A_209 : i32 to index
      %get3A_211 = arith.constant 0 : index
      %get3A_212 = tpu.vector_load %arg11[%get3A_210, %get3A_211] {strides = array<i32>} : memref<512x16xf32, #tpu.memory_space<vmem>>, vector<1x16xf32>,
      %get3A_213 = vector.shape_cast %get3A_212 : vector<1x16xf32> to vector<16xf32>
      %add3A_214 = arith.constant 0 : i32
      %add3A_215 = arith.addi %mul3A_207, %add3A_214 : i32
      %get3A_216 = arith.index_cast %add3A_215 : i32 to index
      %get3A_217 = arith.constant 0 : index
      %get3A_218 = tpu.vector_load %arg12[%get3A_216, %get3A_217] {strides = array<i32>} : memref<512x16xf32, #tpu.memory_space<vmem>>, vector<1x16xf32>,
      %get3A_219 = vector.shape_cast %get3A_218 : vector<1x16xf32> to vector<16xf32>
      %mul3A_220 = arith.mulf %get3A_213, %get3A_219 : vector<16xf32>
      %mul3A_221 = arith.mulf %mul3A_220, %get3A_185 : vector<16xf32>
      %broadcast_in_dim3A = vector.shape_cast %xor3A_199 : vector<16xi32> to vector<16x1xi32>
      %gather3A = vector.shape_cast %broadcast_in_dim3A : vector<16x1xi32> to vector<16xi32>
      %gather3A_222 = tpu.dynamic_gather %mul3A_221[%gather3A] in [0] : vector<16xf32>, vector<16xi32> -> vector<16xf32>
      %add3A_223 = arith.addf %mul3A_221, %gather3A_222 : vector<16xf32>
      %broadcast_in_dim3A_224 = vector.shape_cast %xor3A_196 : vector<16xi32> to vector<16x1xi32>
      %gather3A_225 = vector.shape_cast %broadcast_in_dim3A_224 : vector<16x1xi32> to vector<16xi32>
      %gather3A_226 = tpu.dynamic_gather %add3A_223[%gather3A_225] in [0] : vector<16xf32>, vector<16xi32> -> vector<16xf32>
      %add3A_227 = arith.addf %add3A_223, %gather3A_226 : vector<16xf32>
      %broadcast_in_dim3A_228 = vector.shape_cast %xor3A_193 : vector<16xi32> to vector<16x1xi32>
      %gather3A_229 = vector.shape_cast %broadcast_in_dim3A_228 : vector<16x1xi32> to vector<16xi32>
      %gather3A_230 = tpu.dynamic_gather %add3A_227[%gather3A_229] in [0] : vector<16xf32>, vector<16xi32> -> vector<16xf32>
      %add3A_231 = arith.addf %add3A_227, %gather3A_230 : vector<16xf32>
      %broadcast_in_dim3A_232 = vector.shape_cast %xor3A_190 : vector<16xi32> to vector<16x1xi32>
      %gather3A_233 = vector.shape_cast %broadcast_in_dim3A_232 : vector<16x1xi32> to vector<16xi32>
      %gather3A_234 = tpu.dynamic_gather %add3A_231[%gather3A_233] in [0] : vector<16xf32>, vector<16xi32> -> vector<16xf32>
      %add3A_235 = arith.addf %add3A_231, %gather3A_234 : vector<16xf32>
      %eq3A = arith.constant 0 : i32
      %eq3A_236 = vector.broadcast %eq3A : i32 to vector<16xi32>
      %eq3A_237 = arith.cmpi eq, %iota3A, %eq3A_236 : vector<16xi32>
      %add3A_238 = arith.addf %get3A_188, %add3A_235 : vector<16xf32>
      %select_n3A = arith.select %eq3A_237, %add3A_238, %get3A_188 : vector<16xi1>, vector<16xf32>
      %add3A_239 = arith.constant 1 : i32
      %add3A_240 = arith.addi %mul3A_207, %add3A_239 : i32
      %get3A_241 = arith.index_cast %add3A_240 : i32 to index
      %get3A_242 = arith.constant 0 : index
      %get3A_243 = tpu.vector_load %arg11[%get3A_241, %get3A_242] {strides = array<i32>} : memref<512x16xf32, #tpu.memory_space<vmem>>, vector<1x16xf32>,
      %get3A_244 = vector.shape_cast %get3A_243 : vector<1x16xf32> to vector<16xf32>
      %add3A_245 = arith.constant 1 : i32
      %add3A_246 = arith.addi %mul3A_207, %add3A_245 : i32
      %get3A_247 = arith.index_cast %add3A_246 : i32 to index
      %get3A_248 = arith.constant 0 : index
      %get3A_249 = tpu.vector_load %arg12[%get3A_247, %get3A_248] {strides = array<i32>} : memref<512x16xf32, #tpu.memory_space<vmem>>, vector<1x16xf32>,
      %get3A_250 = vector.shape_cast %get3A_249 : vector<1x16xf32> to vector<16xf32>
      %mul3A_251 = arith.mulf %get3A_244, %get3A_250 : vector<16xf32>
      %mul3A_252 = arith.mulf %mul3A_251, %get3A_185 : vector<16xf32>
      %broadcast_in_dim3A_253 = vector.shape_cast %xor3A_199 : vector<16xi32> to vector<16x1xi32>
      %gather3A_254 = vector.shape_cast %broadcast_in_dim3A_253 : vector<16x1xi32> to vector<16xi32>
      %gather3A_255 = tpu.dynamic_gather %mul3A_252[%gather3A_254] in [0] : vector<16xf32>, vector<16xi32> -> vector<16xf32>
      %add3A_256 = arith.addf %mul3A_252, %gather3A_255 : vector<16xf32>
      %broadcast_in_dim3A_257 = vector.shape_cast %xor3A_196 : vector<16xi32> to vector<16x1xi32>
      %gather3A_258 = vector.shape_cast %broadcast_in_dim3A_257 : vector<16x1xi32> to vector<16xi32>
      %gather3A_259 = tpu.dynamic_gather %add3A_256[%gather3A_258] in [0] : vector<16xf32>, vector<16xi32> -> vector<16xf32>
      %add3A_260 = arith.addf %add3A_256, %gather3A_259 : vector<16xf32>
      %broadcast_in_dim3A_261 = vector.shape_cast %xor3A_193 : vector<16xi32> to vector<16x1xi32>
      %gather3A_262 = vector.shape_cast %broadcast_in_dim3A_261 : vector<16x1xi32> to vector<16xi32>
      %gather3A_263 = tpu.dynamic_gather %add3A_260[%gather3A_262] in [0] : vector<16xf32>, vector<16xi32> -> vector<16xf32>
      %add3A_264 = arith.addf %add3A_260, %gather3A_263 : vector<16xf32>
      %broadcast_in_dim3A_265 = vector.shape_cast %xor3A_190 : vector<16xi32> to vector<16x1xi32>
      %gather3A_266 = vector.shape_cast %broadcast_in_dim3A_265 : vector<16x1xi32> to vector<16xi32>
      %gather3A_267 = tpu.dynamic_gather %add3A_264[%gather3A_266] in [0] : vector<16xf32>, vector<16xi32> -> vector<16xf32>
      %add3A_268 = arith.addf %add3A_264, %gather3A_267 : vector<16xf32>
      %eq3A_269 = arith.constant 1 : i32
      %eq3A_270 = vector.broadcast %eq3A_269 : i32 to vector<16xi32>
      %eq3A_271 = arith.cmpi eq, %iota3A, %eq3A_270 : vector<16xi32>
      %add3A_272 = arith.addf %select_n3A, %add3A_268 : vector<16xf32>
      %select_n3A_273 = arith.select %eq3A_271, %add3A_272, %select_n3A : vector<16xi1>, vector<16xf32>
      %add3A_274 = arith.constant 2 : i32
      %add3A_275 = arith.addi %mul3A_207, %add3A_274 : i32
      %get3A_276 = arith.index_cast %add3A_275 : i32 to index
      %get3A_277 = arith.constant 0 : index
      %get3A_278 = tpu.vector_load %arg11[%get3A_276, %get3A_277] {strides = array<i32>} : memref<512x16xf32, #tpu.memory_space<vmem>>, vector<1x16xf32>,
      %get3A_279 = vector.shape_cast %get3A_278 : vector<1x16xf32> to vector<16xf32>
      %add3A_280 = arith.constant 2 : i32
      %add3A_281 = arith.addi %mul3A_207, %add3A_280 : i32
      %get3A_282 = arith.index_cast %add3A_281 : i32 to index
      %get3A_283 = arith.constant 0 : index
      %get3A_284 = tpu.vector_load %arg12[%get3A_282, %get3A_283] {strides = array<i32>} : memref<512x16xf32, #tpu.memory_space<vmem>>, vector<1x16xf32>,
      %get3A_285 = vector.shape_cast %get3A_284 : vector<1x16xf32> to vector<16xf32>
      %mul3A_286 = arith.mulf %get3A_279, %get3A_285 : vector<16xf32>
      %mul3A_287 = arith.mulf %mul3A_286, %get3A_185 : vector<16xf32>
      %broadcast_in_dim3A_288 = vector.shape_cast %xor3A_199 : vector<16xi32> to vector<16x1xi32>
      %gather3A_289 = vector.shape_cast %broadcast_in_dim3A_288 : vector<16x1xi32> to vector<16xi32>
      %gather3A_290 = tpu.dynamic_gather %mul3A_287[%gather3A_289] in [0] : vector<16xf32>, vector<16xi32> -> vector<16xf32>
      %add3A_291 = arith.addf %mul3A_287, %gather3A_290 : vector<16xf32>
      %broadcast_in_dim3A_292 = vector.shape_cast %xor3A_196 : vector<16xi32> to vector<16x1xi32>
      %gather3A_293 = vector.shape_cast %broadcast_in_dim3A_292 : vector<16x1xi32> to vector<16xi32>
      %gather3A_294 = tpu.dynamic_gather %add3A_291[%gather3A_293] in [0] : vector<16xf32>, vector<16xi32> -> vector<16xf32>
      %add3A_295 = arith.addf %add3A_291, %gather3A_294 : vector<16xf32>
      %broadcast_in_dim3A_296 = vector.shape_cast %xor3A_193 : vector<16xi32> to vector<16x1xi32>
      %gather3A_297 = vector.shape_cast %broadcast_in_dim3A_296 : vector<16x1xi32> to vector<16xi32>
      %gather3A_298 = tpu.dynamic_gather %add3A_295[%gather3A_297] in [0] : vector<16xf32>, vector<16xi32> -> vector<16xf32>
      %add3A_299 = arith.addf %add3A_295, %gather3A_298 : vector<16xf32>
      %broadcast_in_dim3A_300 = vector.shape_cast %xor3A_190 : vector<16xi32> to vector<16x1xi32>
      %gather3A_301 = vector.shape_cast %broadcast_in_dim3A_300 : vector<16x1xi32> to vector<16xi32>
      %gather3A_302 = tpu.dynamic_gather %add3A_299[%gather3A_301] in [0] : vector<16xf32>, vector<16xi32> -> vector<16xf32>
      %add3A_303 = arith.addf %add3A_299, %gather3A_302 : vector<16xf32>
      %eq3A_304 = arith.constant 2 : i32
      %eq3A_305 = vector.broadcast %eq3A_304 : i32 to vector<16xi32>
      %eq3A_306 = arith.cmpi eq, %iota3A, %eq3A_305 : vector<16xi32>
      %add3A_307 = arith.addf %select_n3A_273, %add3A_303 : vector<16xf32>
      %select_n3A_308 = arith.select %eq3A_306, %add3A_307, %select_n3A_273 : vector<16xi1>, vector<16xf32>
      %add3A_309 = arith.constant 3 : i32
      %add3A_310 = arith.addi %mul3A_207, %add3A_309 : i32
      %get3A_311 = arith.index_cast %add3A_310 : i32 to index
      %get3A_312 = arith.constant 0 : index
      %get3A_313 = tpu.vector_load %arg11[%get3A_311, %get3A_312] {strides = array<i32>} : memref<512x16xf32, #tpu.memory_space<vmem>>, vector<1x16xf32>,
      %get3A_314 = vector.shape_cast %get3A_313 : vector<1x16xf32> to vector<16xf32>
      %add3A_315 = arith.constant 3 : i32
      %add3A_316 = arith.addi %mul3A_207, %add3A_315 : i32
      %get3A_317 = arith.index_cast %add3A_316 : i32 to index
      %get3A_318 = arith.constant 0 : index
      %get3A_319 = tpu.vector_load %arg12[%get3A_317, %get3A_318] {strides = array<i32>} : memref<512x16xf32, #tpu.memory_space<vmem>>, vector<1x16xf32>,
      %get3A_320 = vector.shape_cast %get3A_319 : vector<1x16xf32> to vector<16xf32>
      %mul3A_321 = arith.mulf %get3A_314, %get3A_320 : vector<16xf32>
      %mul3A_322 = arith.mulf %mul3A_321, %get3A_185 : vector<16xf32>
      %broadcast_in_dim3A_323 = vector.shape_cast %xor3A_199 : vector<16xi32> to vector<16x1xi32>
      %gather3A_324 = vector.shape_cast %broadcast_in_dim3A_323 : vector<16x1xi32> to vector<16xi32>
      %gather3A_325 = tpu.dynamic_gather %mul3A_322[%gather3A_324] in [0] : vector<16xf32>, vector<16xi32> -> vector<16xf32>
      %add3A_326 = arith.addf %mul3A_322, %gather3A_325 : vector<16xf32>
      %broadcast_in_dim3A_327 = vector.shape_cast %xor3A_196 : vector<16xi32> to vector<16x1xi32>
      %gather3A_328 = vector.shape_cast %broadcast_in_dim3A_327 : vector<16x1xi32> to vector<16xi32>
      %gather3A_329 = tpu.dynamic_gather %add3A_326[%gather3A_328] in [0] : vector<16xf32>, vector<16xi32> -> vector<16xf32>
      %add3A_330 = arith.addf %add3A_326, %gather3A_329 : vector<16xf32>
      %broadcast_in_dim3A_331 = vector.shape_cast %xor3A_193 : vector<16xi32> to vector<16x1xi32>
      %gather3A_332 = vector.shape_cast %broadcast_in_dim3A_331 : vector<16x1xi32> to vector<16xi32>
      %gather3A_333 = tpu.dynamic_gather %add3A_330[%gather3A_332] in [0] : vector<16xf32>, vector<16xi32> -> vector<16xf32>
      %add3A_334 = arith.addf %add3A_330, %gather3A_333 : vector<16xf32>
      %broadcast_in_dim3A_335 = vector.shape_cast %xor3A_190 : vector<16xi32> to vector<16x1xi32>
      %gather3A_336 = vector.shape_cast %broadcast_in_dim3A_335 : vector<16x1xi32> to vector<16xi32>
      %gather3A_337 = tpu.dynamic_gather %add3A_334[%gather3A_336] in [0] : vector<16xf32>, vector<16xi32> -> vector<16xf32>
      %add3A_338 = arith.addf %add3A_334, %gather3A_337 : vector<16xf32>
      %eq3A_339 = arith.constant 3 : i32
      %eq3A_340 = vector.broadcast %eq3A_339 : i32 to vector<16xi32>
      %eq3A_341 = arith.cmpi eq, %iota3A, %eq3A_340 : vector<16xi32>
      %add3A_342 = arith.addf %select_n3A_308, %add3A_338 : vector<16xf32>
      %select_n3A_343 = arith.select %eq3A_341, %add3A_342, %select_n3A_308 : vector<16xi1>, vector<16xf32>
      %add3A_344 = arith.constant 4 : i32
      %add3A_345 = arith.addi %mul3A_207, %add3A_344 : i32
      %get3A_346 = arith.index_cast %add3A_345 : i32 to index
      %get3A_347 = arith.constant 0 : index
      %get3A_348 = tpu.vector_load %arg11[%get3A_346, %get3A_347] {strides = array<i32>} : memref<512x16xf32, #tpu.memory_space<vmem>>, vector<1x16xf32>,
      %get3A_349 = vector.shape_cast %get3A_348 : vector<1x16xf32> to vector<16xf32>
      %add3A_350 = arith.constant 4 : i32
      %add3A_351 = arith.addi %mul3A_207, %add3A_350 : i32
      %get3A_352 = arith.index_cast %add3A_351 : i32 to index
      %get3A_353 = arith.constant 0 : index
      %get3A_354 = tpu.vector_load %arg12[%get3A_352, %get3A_353] {strides = array<i32>} : memref<512x16xf32, #tpu.memory_space<vmem>>, vector<1x16xf32>,
      %get3A_355 = vector.shape_cast %get3A_354 : vector<1x16xf32> to vector<16xf32>
      %mul3A_356 = arith.mulf %get3A_349, %get3A_355 : vector<16xf32>
      %mul3A_357 = arith.mulf %mul3A_356, %get3A_185 : vector<16xf32>
      %broadcast_in_dim3A_358 = vector.shape_cast %xor3A_199 : vector<16xi32> to vector<16x1xi32>
      %gather3A_359 = vector.shape_cast %broadcast_in_dim3A_358 : vector<16x1xi32> to vector<16xi32>
      %gather3A_360 = tpu.dynamic_gather %mul3A_357[%gather3A_359] in [0] : vector<16xf32>, vector<16xi32> -> vector<16xf32>
      %add3A_361 = arith.addf %mul3A_357, %gather3A_360 : vector<16xf32>
      %broadcast_in_dim3A_362 = vector.shape_cast %xor3A_196 : vector<16xi32> to vector<16x1xi32>
      %gather3A_363 = vector.shape_cast %broadcast_in_dim3A_362 : vector<16x1xi32> to vector<16xi32>
      %gather3A_364 = tpu.dynamic_gather %add3A_361[%gather3A_363] in [0] : vector<16xf32>, vector<16xi32> -> vector<16xf32>
      %add3A_365 = arith.addf %add3A_361, %gather3A_364 : vector<16xf32>
      %broadcast_in_dim3A_366 = vector.shape_cast %xor3A_193 : vector<16xi32> to vector<16x1xi32>
      %gather3A_367 = vector.shape_cast %broadcast_in_dim3A_366 : vector<16x1xi32> to vector<16xi32>
      %gather3A_368 = tpu.dynamic_gather %add3A_365[%gather3A_367] in [0] : vector<16xf32>, vector<16xi32> -> vector<16xf32>
      %add3A_369 = arith.addf %add3A_365, %gather3A_368 : vector<16xf32>
      %broadcast_in_dim3A_370 = vector.shape_cast %xor3A_190 : vector<16xi32> to vector<16x1xi32>
      %gather3A_371 = vector.shape_cast %broadcast_in_dim3A_370 : vector<16x1xi32> to vector<16xi32>
      %gather3A_372 = tpu.dynamic_gather %add3A_369[%gather3A_371] in [0] : vector<16xf32>, vector<16xi32> -> vector<16xf32>
      %add3A_373 = arith.addf %add3A_369, %gather3A_372 : vector<16xf32>
      %eq3A_374 = arith.constant 4 : i32
      %eq3A_375 = vector.broadcast %eq3A_374 : i32 to vector<16xi32>
      %eq3A_376 = arith.cmpi eq, %iota3A, %eq3A_375 : vector<16xi32>
      %add3A_377 = arith.addf %select_n3A_343, %add3A_373 : vector<16xf32>
      %select_n3A_378 = arith.select %eq3A_376, %add3A_377, %select_n3A_343 : vector<16xi1>, vector<16xf32>
      %add3A_379 = arith.constant 5 : i32
      %add3A_380 = arith.addi %mul3A_207, %add3A_379 : i32
      %get3A_381 = arith.index_cast %add3A_380 : i32 to index
      %get3A_382 = arith.constant 0 : index
      %get3A_383 = tpu.vector_load %arg11[%get3A_381, %get3A_382] {strides = array<i32>} : memref<512x16xf32, #tpu.memory_space<vmem>>, vector<1x16xf32>,
      %get3A_384 = vector.shape_cast %get3A_383 : vector<1x16xf32> to vector<16xf32>
      %add3A_385 = arith.constant 5 : i32
      %add3A_386 = arith.addi %mul3A_207, %add3A_385 : i32
      %get3A_387 = arith.index_cast %add3A_386 : i32 to index
      %get3A_388 = arith.constant 0 : index
      %get3A_389 = tpu.vector_load %arg12[%get3A_387, %get3A_388] {strides = array<i32>} : memref<512x16xf32, #tpu.memory_space<vmem>>, vector<1x16xf32>,
      %get3A_390 = vector.shape_cast %get3A_389 : vector<1x16xf32> to vector<16xf32>
      %mul3A_391 = arith.mulf %get3A_384, %get3A_390 : vector<16xf32>
      %mul3A_392 = arith.mulf %mul3A_391, %get3A_185 : vector<16xf32>
      %broadcast_in_dim3A_393 = vector.shape_cast %xor3A_199 : vector<16xi32> to vector<16x1xi32>
      %gather3A_394 = vector.shape_cast %broadcast_in_dim3A_393 : vector<16x1xi32> to vector<16xi32>
      %gather3A_395 = tpu.dynamic_gather %mul3A_392[%gather3A_394] in [0] : vector<16xf32>, vector<16xi32> -> vector<16xf32>
      %add3A_396 = arith.addf %mul3A_392, %gather3A_395 : vector<16xf32>
      %broadcast_in_dim3A_397 = vector.shape_cast %xor3A_196 : vector<16xi32> to vector<16x1xi32>
      %gather3A_398 = vector.shape_cast %broadcast_in_dim3A_397 : vector<16x1xi32> to vector<16xi32>
      %gather3A_399 = tpu.dynamic_gather %add3A_396[%gather3A_398] in [0] : vector<16xf32>, vector<16xi32> -> vector<16xf32>
      %add3A_400 = arith.addf %add3A_396, %gather3A_399 : vector<16xf32>
      %broadcast_in_dim3A_401 = vector.shape_cast %xor3A_193 : vector<16xi32> to vector<16x1xi32>
      %gather3A_402 = vector.shape_cast %broadcast_in_dim3A_401 : vector<16x1xi32> to vector<16xi32>
      %gather3A_403 = tpu.dynamic_gather %add3A_400[%gather3A_402] in [0] : vector<16xf32>, vector<16xi32> -> vector<16xf32>
      %add3A_404 = arith.addf %add3A_400, %gather3A_403 : vector<16xf32>
      %broadcast_in_dim3A_405 = vector.shape_cast %xor3A_190 : vector<16xi32> to vector<16x1xi32>
      %gather3A_406 = vector.shape_cast %broadcast_in_dim3A_405 : vector<16x1xi32> to vector<16xi32>
      %gather3A_407 = tpu.dynamic_gather %add3A_404[%gather3A_406] in [0] : vector<16xf32>, vector<16xi32> -> vector<16xf32>
      %add3A_408 = arith.addf %add3A_404, %gather3A_407 : vector<16xf32>
      %eq3A_409 = arith.constant 5 : i32
      %eq3A_410 = vector.broadcast %eq3A_409 : i32 to vector<16xi32>
      %eq3A_411 = arith.cmpi eq, %iota3A, %eq3A_410 : vector<16xi32>
      %add3A_412 = arith.addf %select_n3A_378, %add3A_408 : vector<16xf32>
      %select_n3A_413 = arith.select %eq3A_411, %add3A_412, %select_n3A_378 : vector<16xi1>, vector<16xf32>
      %add3A_414 = arith.constant 6 : i32
      %add3A_415 = arith.addi %mul3A_207, %add3A_414 : i32
      %get3A_416 = arith.index_cast %add3A_415 : i32 to index
      %get3A_417 = arith.constant 0 : index
      %get3A_418 = tpu.vector_load %arg11[%get3A_416, %get3A_417] {strides = array<i32>} : memref<512x16xf32, #tpu.memory_space<vmem>>, vector<1x16xf32>,
      %get3A_419 = vector.shape_cast %get3A_418 : vector<1x16xf32> to vector<16xf32>
      %add3A_420 = arith.constant 6 : i32
      %add3A_421 = arith.addi %mul3A_207, %add3A_420 : i32
      %get3A_422 = arith.index_cast %add3A_421 : i32 to index
      %get3A_423 = arith.constant 0 : index
      %get3A_424 = tpu.vector_load %arg12[%get3A_422, %get3A_423] {strides = array<i32>} : memref<512x16xf32, #tpu.memory_space<vmem>>, vector<1x16xf32>,
      %get3A_425 = vector.shape_cast %get3A_424 : vector<1x16xf32> to vector<16xf32>
      %mul3A_426 = arith.mulf %get3A_419, %get3A_425 : vector<16xf32>
      %mul3A_427 = arith.mulf %mul3A_426, %get3A_185 : vector<16xf32>
      %broadcast_in_dim3A_428 = vector.shape_cast %xor3A_199 : vector<16xi32> to vector<16x1xi32>
      %gather3A_429 = vector.shape_cast %broadcast_in_dim3A_428 : vector<16x1xi32> to vector<16xi32>
      %gather3A_430 = tpu.dynamic_gather %mul3A_427[%gather3A_429] in [0] : vector<16xf32>, vector<16xi32> -> vector<16xf32>
      %add3A_431 = arith.addf %mul3A_427, %gather3A_430 : vector<16xf32>
      %broadcast_in_dim3A_432 = vector.shape_cast %xor3A_196 : vector<16xi32> to vector<16x1xi32>
      %gather3A_433 = vector.shape_cast %broadcast_in_dim3A_432 : vector<16x1xi32> to vector<16xi32>
      %gather3A_434 = tpu.dynamic_gather %add3A_431[%gather3A_433] in [0] : vector<16xf32>, vector<16xi32> -> vector<16xf32>
      %add3A_435 = arith.addf %add3A_431, %gather3A_434 : vector<16xf32>
      %broadcast_in_dim3A_436 = vector.shape_cast %xor3A_193 : vector<16xi32> to vector<16x1xi32>
      %gather3A_437 = vector.shape_cast %broadcast_in_dim3A_436 : vector<16x1xi32> to vector<16xi32>
      %gather3A_438 = tpu.dynamic_gather %add3A_435[%gather3A_437] in [0] : vector<16xf32>, vector<16xi32> -> vector<16xf32>
      %add3A_439 = arith.addf %add3A_435, %gather3A_438 : vector<16xf32>
      %broadcast_in_dim3A_440 = vector.shape_cast %xor3A_190 : vector<16xi32> to vector<16x1xi32>
      %gather3A_441 = vector.shape_cast %broadcast_in_dim3A_440 : vector<16x1xi32> to vector<16xi32>
      %gather3A_442 = tpu.dynamic_gather %add3A_439[%gather3A_441] in [0] : vector<16xf32>, vector<16xi32> -> vector<16xf32>
      %add3A_443 = arith.addf %add3A_439, %gather3A_442 : vector<16xf32>
      %eq3A_444 = arith.constant 6 : i32
      %eq3A_445 = vector.broadcast %eq3A_444 : i32 to vector<16xi32>
      %eq3A_446 = arith.cmpi eq, %iota3A, %eq3A_445 : vector<16xi32>
      %add3A_447 = arith.addf %select_n3A_413, %add3A_443 : vector<16xf32>
      %select_n3A_448 = arith.select %eq3A_446, %add3A_447, %select_n3A_413 : vector<16xi1>, vector<16xf32>
      %add3A_449 = arith.constant 7 : i32
      %add3A_450 = arith.addi %mul3A_207, %add3A_449 : i32
      %get3A_451 = arith.index_cast %add3A_450 : i32 to index
      %get3A_452 = arith.constant 0 : index
      %get3A_453 = tpu.vector_load %arg11[%get3A_451, %get3A_452] {strides = array<i32>} : memref<512x16xf32, #tpu.memory_space<vmem>>, vector<1x16xf32>,
      %get3A_454 = vector.shape_cast %get3A_453 : vector<1x16xf32> to vector<16xf32>
      %add3A_455 = arith.constant 7 : i32
      %add3A_456 = arith.addi %mul3A_207, %add3A_455 : i32
      %get3A_457 = arith.index_cast %add3A_456 : i32 to index
      %get3A_458 = arith.constant 0 : index
      %get3A_459 = tpu.vector_load %arg12[%get3A_457, %get3A_458] {strides = array<i32>} : memref<512x16xf32, #tpu.memory_space<vmem>>, vector<1x16xf32>,
      %get3A_460 = vector.shape_cast %get3A_459 : vector<1x16xf32> to vector<16xf32>
      %mul3A_461 = arith.mulf %get3A_454, %get3A_460 : vector<16xf32>
      %mul3A_462 = arith.mulf %mul3A_461, %get3A_185 : vector<16xf32>
      %broadcast_in_dim3A_463 = vector.shape_cast %xor3A_199 : vector<16xi32> to vector<16x1xi32>
      %gather3A_464 = vector.shape_cast %broadcast_in_dim3A_463 : vector<16x1xi32> to vector<16xi32>
      %gather3A_465 = tpu.dynamic_gather %mul3A_462[%gather3A_464] in [0] : vector<16xf32>, vector<16xi32> -> vector<16xf32>
      %add3A_466 = arith.addf %mul3A_462, %gather3A_465 : vector<16xf32>
      %broadcast_in_dim3A_467 = vector.shape_cast %xor3A_196 : vector<16xi32> to vector<16x1xi32>
      %gather3A_468 = vector.shape_cast %broadcast_in_dim3A_467 : vector<16x1xi32> to vector<16xi32>
      %gather3A_469 = tpu.dynamic_gather %add3A_466[%gather3A_468] in [0] : vector<16xf32>, vector<16xi32> -> vector<16xf32>
      %add3A_470 = arith.addf %add3A_466, %gather3A_469 : vector<16xf32>
      %broadcast_in_dim3A_471 = vector.shape_cast %xor3A_193 : vector<16xi32> to vector<16x1xi32>
      %gather3A_472 = vector.shape_cast %broadcast_in_dim3A_471 : vector<16x1xi32> to vector<16xi32>
      %gather3A_473 = tpu.dynamic_gather %add3A_470[%gather3A_472] in [0] : vector<16xf32>, vector<16xi32> -> vector<16xf32>
      %add3A_474 = arith.addf %add3A_470, %gather3A_473 : vector<16xf32>
      %broadcast_in_dim3A_475 = vector.shape_cast %xor3A_190 : vector<16xi32> to vector<16x1xi32>
      %gather3A_476 = vector.shape_cast %broadcast_in_dim3A_475 : vector<16x1xi32> to vector<16xi32>
      %gather3A_477 = tpu.dynamic_gather %add3A_474[%gather3A_476] in [0] : vector<16xf32>, vector<16xi32> -> vector<16xf32>
      %add3A_478 = arith.addf %add3A_474, %gather3A_477 : vector<16xf32>
      %eq3A_479 = arith.constant 7 : i32
      %eq3A_480 = vector.broadcast %eq3A_479 : i32 to vector<16xi32>
      %eq3A_481 = arith.cmpi eq, %iota3A, %eq3A_480 : vector<16xi32>
      %add3A_482 = arith.addf %select_n3A_448, %add3A_478 : vector<16xf32>
      %select_n3A_483 = arith.select %eq3A_481, %add3A_482, %select_n3A_448 : vector<16xi1>, vector<16xf32>
      %add3A_484 = arith.constant 8 : i32
      %add3A_485 = arith.addi %mul3A_207, %add3A_484 : i32
      %get3A_486 = arith.index_cast %add3A_485 : i32 to index
      %get3A_487 = arith.constant 0 : index
      %get3A_488 = tpu.vector_load %arg11[%get3A_486, %get3A_487] {strides = array<i32>} : memref<512x16xf32, #tpu.memory_space<vmem>>, vector<1x16xf32>,
      %get3A_489 = vector.shape_cast %get3A_488 : vector<1x16xf32> to vector<16xf32>
      %add3A_490 = arith.constant 8 : i32
      %add3A_491 = arith.addi %mul3A_207, %add3A_490 : i32
      %get3A_492 = arith.index_cast %add3A_491 : i32 to index
      %get3A_493 = arith.constant 0 : index
      %get3A_494 = tpu.vector_load %arg12[%get3A_492, %get3A_493] {strides = array<i32>} : memref<512x16xf32, #tpu.memory_space<vmem>>, vector<1x16xf32>,
      %get3A_495 = vector.shape_cast %get3A_494 : vector<1x16xf32> to vector<16xf32>
      %mul3A_496 = arith.mulf %get3A_489, %get3A_495 : vector<16xf32>
      %mul3A_497 = arith.mulf %mul3A_496, %get3A_185 : vector<16xf32>
      %broadcast_in_dim3A_498 = vector.shape_cast %xor3A_199 : vector<16xi32> to vector<16x1xi32>
      %gather3A_499 = vector.shape_cast %broadcast_in_dim3A_498 : vector<16x1xi32> to vector<16xi32>
      %gather3A_500 = tpu.dynamic_gather %mul3A_497[%gather3A_499] in [0] : vector<16xf32>, vector<16xi32> -> vector<16xf32>
      %add3A_501 = arith.addf %mul3A_497, %gather3A_500 : vector<16xf32>
      %broadcast_in_dim3A_502 = vector.shape_cast %xor3A_196 : vector<16xi32> to vector<16x1xi32>
      %gather3A_503 = vector.shape_cast %broadcast_in_dim3A_502 : vector<16x1xi32> to vector<16xi32>
      %gather3A_504 = tpu.dynamic_gather %add3A_501[%gather3A_503] in [0] : vector<16xf32>, vector<16xi32> -> vector<16xf32>
      %add3A_505 = arith.addf %add3A_501, %gather3A_504 : vector<16xf32>
      %broadcast_in_dim3A_506 = vector.shape_cast %xor3A_193 : vector<16xi32> to vector<16x1xi32>
      %gather3A_507 = vector.shape_cast %broadcast_in_dim3A_506 : vector<16x1xi32> to vector<16xi32>
      %gather3A_508 = tpu.dynamic_gather %add3A_505[%gather3A_507] in [0] : vector<16xf32>, vector<16xi32> -> vector<16xf32>
      %add3A_509 = arith.addf %add3A_505, %gather3A_508 : vector<16xf32>
      %broadcast_in_dim3A_510 = vector.shape_cast %xor3A_190 : vector<16xi32> to vector<16x1xi32>
      %gather3A_511 = vector.shape_cast %broadcast_in_dim3A_510 : vector<16x1xi32> to vector<16xi32>
      %gather3A_512 = tpu.dynamic_gather %add3A_509[%gather3A_511] in [0] : vector<16xf32>, vector<16xi32> -> vector<16xf32>
      %add3A_513 = arith.addf %add3A_509, %gather3A_512 : vector<16xf32>
      %eq3A_514 = arith.constant 8 : i32
      %eq3A_515 = vector.broadcast %eq3A_514 : i32 to vector<16xi32>
      %eq3A_516 = arith.cmpi eq, %iota3A, %eq3A_515 : vector<16xi32>
      %add3A_517 = arith.addf %select_n3A_483, %add3A_513 : vector<16xf32>
      %select_n3A_518 = arith.select %eq3A_516, %add3A_517, %select_n3A_483 : vector<16xi1>, vector<16xf32>
      %add3A_519 = arith.constant 9 : i32
      %add3A_520 = arith.addi %mul3A_207, %add3A_519 : i32
      %get3A_521 = arith.index_cast %add3A_520 : i32 to index
      %get3A_522 = arith.constant 0 : index
      %get3A_523 = tpu.vector_load %arg11[%get3A_521, %get3A_522] {strides = array<i32>} : memref<512x16xf32, #tpu.memory_space<vmem>>, vector<1x16xf32>,
      %get3A_524 = vector.shape_cast %get3A_523 : vector<1x16xf32> to vector<16xf32>
      %add3A_525 = arith.constant 9 : i32
      %add3A_526 = arith.addi %mul3A_207, %add3A_525 : i32
      %get3A_527 = arith.index_cast %add3A_526 : i32 to index
      %get3A_528 = arith.constant 0 : index
      %get3A_529 = tpu.vector_load %arg12[%get3A_527, %get3A_528] {strides = array<i32>} : memref<512x16xf32, #tpu.memory_space<vmem>>, vector<1x16xf32>,
      %get3A_530 = vector.shape_cast %get3A_529 : vector<1x16xf32> to vector<16xf32>
      %mul3A_531 = arith.mulf %get3A_524, %get3A_530 : vector<16xf32>
      %mul3A_532 = arith.mulf %mul3A_531, %get3A_185 : vector<16xf32>
      %broadcast_in_dim3A_533 = vector.shape_cast %xor3A_199 : vector<16xi32> to vector<16x1xi32>
      %gather3A_534 = vector.shape_cast %broadcast_in_dim3A_533 : vector<16x1xi32> to vector<16xi32>
      %gather3A_535 = tpu.dynamic_gather %mul3A_532[%gather3A_534] in [0] : vector<16xf32>, vector<16xi32> -> vector<16xf32>
      %add3A_536 = arith.addf %mul3A_532, %gather3A_535 : vector<16xf32>
      %broadcast_in_dim3A_537 = vector.shape_cast %xor3A_196 : vector<16xi32> to vector<16x1xi32>
      %gather3A_538 = vector.shape_cast %broadcast_in_dim3A_537 : vector<16x1xi32> to vector<16xi32>
      %gather3A_539 = tpu.dynamic_gather %add3A_536[%gather3A_538] in [0] : vector<16xf32>, vector<16xi32> -> vector<16xf32>
      %add3A_540 = arith.addf %add3A_536, %gather3A_539 : vector<16xf32>
      %broadcast_in_dim3A_541 = vector.shape_cast %xor3A_193 : vector<16xi32> to vector<16x1xi32>
      %gather3A_542 = vector.shape_cast %broadcast_in_dim3A_541 : vector<16x1xi32> to vector<16xi32>
      %gather3A_543 = tpu.dynamic_gather %add3A_540[%gather3A_542] in [0] : vector<16xf32>, vector<16xi32> -> vector<16xf32>
      %add3A_544 = arith.addf %add3A_540, %gather3A_543 : vector<16xf32>
      %broadcast_in_dim3A_545 = vector.shape_cast %xor3A_190 : vector<16xi32> to vector<16x1xi32>
      %gather3A_546 = vector.shape_cast %broadcast_in_dim3A_545 : vector<16x1xi32> to vector<16xi32>
      %gather3A_547 = tpu.dynamic_gather %add3A_544[%gather3A_546] in [0] : vector<16xf32>, vector<16xi32> -> vector<16xf32>
      %add3A_548 = arith.addf %add3A_544, %gather3A_547 : vector<16xf32>
      %eq3A_549 = arith.constant 9 : i32
      %eq3A_550 = vector.broadcast %eq3A_549 : i32 to vector<16xi32>
      %eq3A_551 = arith.cmpi eq, %iota3A, %eq3A_550 : vector<16xi32>
      %add3A_552 = arith.addf %select_n3A_518, %add3A_548 : vector<16xf32>
      %select_n3A_553 = arith.select %eq3A_551, %add3A_552, %select_n3A_518 : vector<16xi1>, vector<16xf32>
      %add3A_554 = arith.constant 10 : i32
      %add3A_555 = arith.addi %mul3A_207, %add3A_554 : i32
      %get3A_556 = arith.index_cast %add3A_555 : i32 to index
      %get3A_557 = arith.constant 0 : index
      %get3A_558 = tpu.vector_load %arg11[%get3A_556, %get3A_557] {strides = array<i32>} : memref<512x16xf32, #tpu.memory_space<vmem>>, vector<1x16xf32>,
      %get3A_559 = vector.shape_cast %get3A_558 : vector<1x16xf32> to vector<16xf32>
      %add3A_560 = arith.constant 10 : i32
      %add3A_561 = arith.addi %mul3A_207, %add3A_560 : i32
      %get3A_562 = arith.index_cast %add3A_561 : i32 to index
      %get3A_563 = arith.constant 0 : index
      %get3A_564 = tpu.vector_load %arg12[%get3A_562, %get3A_563] {strides = array<i32>} : memref<512x16xf32, #tpu.memory_space<vmem>>, vector<1x16xf32>,
      %get3A_565 = vector.shape_cast %get3A_564 : vector<1x16xf32> to vector<16xf32>
      %mul3A_566 = arith.mulf %get3A_559, %get3A_565 : vector<16xf32>
      %mul3A_567 = arith.mulf %mul3A_566, %get3A_185 : vector<16xf32>
      %broadcast_in_dim3A_568 = vector.shape_cast %xor3A_199 : vector<16xi32> to vector<16x1xi32>
      %gather3A_569 = vector.shape_cast %broadcast_in_dim3A_568 : vector<16x1xi32> to vector<16xi32>
      %gather3A_570 = tpu.dynamic_gather %mul3A_567[%gather3A_569] in [0] : vector<16xf32>, vector<16xi32> -> vector<16xf32>
      %add3A_571 = arith.addf %mul3A_567, %gather3A_570 : vector<16xf32>
      %broadcast_in_dim3A_572 = vector.shape_cast %xor3A_196 : vector<16xi32> to vector<16x1xi32>
      %gather3A_573 = vector.shape_cast %broadcast_in_dim3A_572 : vector<16x1xi32> to vector<16xi32>
      %gather3A_574 = tpu.dynamic_gather %add3A_571[%gather3A_573] in [0] : vector<16xf32>, vector<16xi32> -> vector<16xf32>
      %add3A_575 = arith.addf %add3A_571, %gather3A_574 : vector<16xf32>
      %broadcast_in_dim3A_576 = vector.shape_cast %xor3A_193 : vector<16xi32> to vector<16x1xi32>
      %gather3A_577 = vector.shape_cast %broadcast_in_dim3A_576 : vector<16x1xi32> to vector<16xi32>
      %gather3A_578 = tpu.dynamic_gather %add3A_575[%gather3A_577] in [0] : vector<16xf32>, vector<16xi32> -> vector<16xf32>
      %add3A_579 = arith.addf %add3A_575, %gather3A_578 : vector<16xf32>
      %broadcast_in_dim3A_580 = vector.shape_cast %xor3A_190 : vector<16xi32> to vector<16x1xi32>
      %gather3A_581 = vector.shape_cast %broadcast_in_dim3A_580 : vector<16x1xi32> to vector<16xi32>
      %gather3A_582 = tpu.dynamic_gather %add3A_579[%gather3A_581] in [0] : vector<16xf32>, vector<16xi32> -> vector<16xf32>
      %add3A_583 = arith.addf %add3A_579, %gather3A_582 : vector<16xf32>
      %eq3A_584 = arith.constant 10 : i32
      %eq3A_585 = vector.broadcast %eq3A_584 : i32 to vector<16xi32>
      %eq3A_586 = arith.cmpi eq, %iota3A, %eq3A_585 : vector<16xi32>
      %add3A_587 = arith.addf %select_n3A_553, %add3A_583 : vector<16xf32>
      %select_n3A_588 = arith.select %eq3A_586, %add3A_587, %select_n3A_553 : vector<16xi1>, vector<16xf32>
      %add3A_589 = arith.constant 11 : i32
      %add3A_590 = arith.addi %mul3A_207, %add3A_589 : i32
      %get3A_591 = arith.index_cast %add3A_590 : i32 to index
      %get3A_592 = arith.constant 0 : index
      %get3A_593 = tpu.vector_load %arg11[%get3A_591, %get3A_592] {strides = array<i32>} : memref<512x16xf32, #tpu.memory_space<vmem>>, vector<1x16xf32>,
      %get3A_594 = vector.shape_cast %get3A_593 : vector<1x16xf32> to vector<16xf32>
      %add3A_595 = arith.constant 11 : i32
      %add3A_596 = arith.addi %mul3A_207, %add3A_595 : i32
      %get3A_597 = arith.index_cast %add3A_596 : i32 to index
      %get3A_598 = arith.constant 0 : index
      %get3A_599 = tpu.vector_load %arg12[%get3A_597, %get3A_598] {strides = array<i32>} : memref<512x16xf32, #tpu.memory_space<vmem>>, vector<1x16xf32>,
      %get3A_600 = vector.shape_cast %get3A_599 : vector<1x16xf32> to vector<16xf32>
      %mul3A_601 = arith.mulf %get3A_594, %get3A_600 : vector<16xf32>
      %mul3A_602 = arith.mulf %mul3A_601, %get3A_185 : vector<16xf32>
      %broadcast_in_dim3A_603 = vector.shape_cast %xor3A_199 : vector<16xi32> to vector<16x1xi32>
      %gather3A_604 = vector.shape_cast %broadcast_in_dim3A_603 : vector<16x1xi32> to vector<16xi32>
      %gather3A_605 = tpu.dynamic_gather %mul3A_602[%gather3A_604] in [0] : vector<16xf32>, vector<16xi32> -> vector<16xf32>
      %add3A_606 = arith.addf %mul3A_602, %gather3A_605 : vector<16xf32>
      %broadcast_in_dim3A_607 = vector.shape_cast %xor3A_196 : vector<16xi32> to vector<16x1xi32>
      %gather3A_608 = vector.shape_cast %broadcast_in_dim3A_607 : vector<16x1xi32> to vector<16xi32>
      %gather3A_609 = tpu.dynamic_gather %add3A_606[%gather3A_608] in [0] : vector<16xf32>, vector<16xi32> -> vector<16xf32>
      %add3A_610 = arith.addf %add3A_606, %gather3A_609 : vector<16xf32>
      %broadcast_in_dim3A_611 = vector.shape_cast %xor3A_193 : vector<16xi32> to vector<16x1xi32>
      %gather3A_612 = vector.shape_cast %broadcast_in_dim3A_611 : vector<16x1xi32> to vector<16xi32>
      %gather3A_613 = tpu.dynamic_gather %add3A_610[%gather3A_612] in [0] : vector<16xf32>, vector<16xi32> -> vector<16xf32>
      %add3A_614 = arith.addf %add3A_610, %gather3A_613 : vector<16xf32>
      %broadcast_in_dim3A_615 = vector.shape_cast %xor3A_190 : vector<16xi32> to vector<16x1xi32>
      %gather3A_616 = vector.shape_cast %broadcast_in_dim3A_615 : vector<16x1xi32> to vector<16xi32>
      %gather3A_617 = tpu.dynamic_gather %add3A_614[%gather3A_616] in [0] : vector<16xf32>, vector<16xi32> -> vector<16xf32>
      %add3A_618 = arith.addf %add3A_614, %gather3A_617 : vector<16xf32>
      %eq3A_619 = arith.constant 11 : i32
      %eq3A_620 = vector.broadcast %eq3A_619 : i32 to vector<16xi32>
      %eq3A_621 = arith.cmpi eq, %iota3A, %eq3A_620 : vector<16xi32>
      %add3A_622 = arith.addf %select_n3A_588, %add3A_618 : vector<16xf32>
      %select_n3A_623 = arith.select %eq3A_621, %add3A_622, %select_n3A_588 : vector<16xi1>, vector<16xf32>
      %add3A_624 = arith.constant 12 : i32
      %add3A_625 = arith.addi %mul3A_207, %add3A_624 : i32
      %get3A_626 = arith.index_cast %add3A_625 : i32 to index
      %get3A_627 = arith.constant 0 : index
      %get3A_628 = tpu.vector_load %arg11[%get3A_626, %get3A_627] {strides = array<i32>} : memref<512x16xf32, #tpu.memory_space<vmem>>, vector<1x16xf32>,
      %get3A_629 = vector.shape_cast %get3A_628 : vector<1x16xf32> to vector<16xf32>
      %add3A_630 = arith.constant 12 : i32
      %add3A_631 = arith.addi %mul3A_207, %add3A_630 : i32
      %get3A_632 = arith.index_cast %add3A_631 : i32 to index
      %get3A_633 = arith.constant 0 : index
      %get3A_634 = tpu.vector_load %arg12[%get3A_632, %get3A_633] {strides = array<i32>} : memref<512x16xf32, #tpu.memory_space<vmem>>, vector<1x16xf32>,
      %get3A_635 = vector.shape_cast %get3A_634 : vector<1x16xf32> to vector<16xf32>
      %mul3A_636 = arith.mulf %get3A_629, %get3A_635 : vector<16xf32>
      %mul3A_637 = arith.mulf %mul3A_636, %get3A_185 : vector<16xf32>
      %broadcast_in_dim3A_638 = vector.shape_cast %xor3A_199 : vector<16xi32> to vector<16x1xi32>
      %gather3A_639 = vector.shape_cast %broadcast_in_dim3A_638 : vector<16x1xi32> to vector<16xi32>
      %gather3A_640 = tpu.dynamic_gather %mul3A_637[%gather3A_639] in [0] : vector<16xf32>, vector<16xi32> -> vector<16xf32>
      %add3A_641 = arith.addf %mul3A_637, %gather3A_640 : vector<16xf32>
      %broadcast_in_dim3A_642 = vector.shape_cast %xor3A_196 : vector<16xi32> to vector<16x1xi32>
      %gather3A_643 = vector.shape_cast %broadcast_in_dim3A_642 : vector<16x1xi32> to vector<16xi32>
      %gather3A_644 = tpu.dynamic_gather %add3A_641[%gather3A_643] in [0] : vector<16xf32>, vector<16xi32> -> vector<16xf32>
      %add3A_645 = arith.addf %add3A_641, %gather3A_644 : vector<16xf32>
      %broadcast_in_dim3A_646 = vector.shape_cast %xor3A_193 : vector<16xi32> to vector<16x1xi32>
      %gather3A_647 = vector.shape_cast %broadcast_in_dim3A_646 : vector<16x1xi32> to vector<16xi32>
      %gather3A_648 = tpu.dynamic_gather %add3A_645[%gather3A_647] in [0] : vector<16xf32>, vector<16xi32> -> vector<16xf32>
      %add3A_649 = arith.addf %add3A_645, %gather3A_648 : vector<16xf32>
      %broadcast_in_dim3A_650 = vector.shape_cast %xor3A_190 : vector<16xi32> to vector<16x1xi32>
      %gather3A_651 = vector.shape_cast %broadcast_in_dim3A_650 : vector<16x1xi32> to vector<16xi32>
      %gather3A_652 = tpu.dynamic_gather %add3A_649[%gather3A_651] in [0] : vector<16xf32>, vector<16xi32> -> vector<16xf32>
      %add3A_653 = arith.addf %add3A_649, %gather3A_652 : vector<16xf32>
      %eq3A_654 = arith.constant 12 : i32
      %eq3A_655 = vector.broadcast %eq3A_654 : i32 to vector<16xi32>
      %eq3A_656 = arith.cmpi eq, %iota3A, %eq3A_655 : vector<16xi32>
      %add3A_657 = arith.addf %select_n3A_623, %add3A_653 : vector<16xf32>
      %select_n3A_658 = arith.select %eq3A_656, %add3A_657, %select_n3A_623 : vector<16xi1>, vector<16xf32>
      %add3A_659 = arith.constant 13 : i32
      %add3A_660 = arith.addi %mul3A_207, %add3A_659 : i32
      %get3A_661 = arith.index_cast %add3A_660 : i32 to index
      %get3A_662 = arith.constant 0 : index
      %get3A_663 = tpu.vector_load %arg11[%get3A_661, %get3A_662] {strides = array<i32>} : memref<512x16xf32, #tpu.memory_space<vmem>>, vector<1x16xf32>,
      %get3A_664 = vector.shape_cast %get3A_663 : vector<1x16xf32> to vector<16xf32>
      %add3A_665 = arith.constant 13 : i32
      %add3A_666 = arith.addi %mul3A_207, %add3A_665 : i32
      %get3A_667 = arith.index_cast %add3A_666 : i32 to index
      %get3A_668 = arith.constant 0 : index
      %get3A_669 = tpu.vector_load %arg12[%get3A_667, %get3A_668] {strides = array<i32>} : memref<512x16xf32, #tpu.memory_space<vmem>>, vector<1x16xf32>,
      %get3A_670 = vector.shape_cast %get3A_669 : vector<1x16xf32> to vector<16xf32>
      %mul3A_671 = arith.mulf %get3A_664, %get3A_670 : vector<16xf32>
      %mul3A_672 = arith.mulf %mul3A_671, %get3A_185 : vector<16xf32>
      %broadcast_in_dim3A_673 = vector.shape_cast %xor3A_199 : vector<16xi32> to vector<16x1xi32>
      %gather3A_674 = vector.shape_cast %broadcast_in_dim3A_673 : vector<16x1xi32> to vector<16xi32>
      %gather3A_675 = tpu.dynamic_gather %mul3A_672[%gather3A_674] in [0] : vector<16xf32>, vector<16xi32> -> vector<16xf32>
      %add3A_676 = arith.addf %mul3A_672, %gather3A_675 : vector<16xf32>
      %broadcast_in_dim3A_677 = vector.shape_cast %xor3A_196 : vector<16xi32> to vector<16x1xi32>
      %gather3A_678 = vector.shape_cast %broadcast_in_dim3A_677 : vector<16x1xi32> to vector<16xi32>
      %gather3A_679 = tpu.dynamic_gather %add3A_676[%gather3A_678] in [0] : vector<16xf32>, vector<16xi32> -> vector<16xf32>
      %add3A_680 = arith.addf %add3A_676, %gather3A_679 : vector<16xf32>
      %broadcast_in_dim3A_681 = vector.shape_cast %xor3A_193 : vector<16xi32> to vector<16x1xi32>
      %gather3A_682 = vector.shape_cast %broadcast_in_dim3A_681 : vector<16x1xi32> to vector<16xi32>
      %gather3A_683 = tpu.dynamic_gather %add3A_680[%gather3A_682] in [0] : vector<16xf32>, vector<16xi32> -> vector<16xf32>
      %add3A_684 = arith.addf %add3A_680, %gather3A_683 : vector<16xf32>
      %broadcast_in_dim3A_685 = vector.shape_cast %xor3A_190 : vector<16xi32> to vector<16x1xi32>
      %gather3A_686 = vector.shape_cast %broadcast_in_dim3A_685 : vector<16x1xi32> to vector<16xi32>
      %gather3A_687 = tpu.dynamic_gather %add3A_684[%gather3A_686] in [0] : vector<16xf32>, vector<16xi32> -> vector<16xf32>
      %add3A_688 = arith.addf %add3A_684, %gather3A_687 : vector<16xf32>
      %eq3A_689 = arith.constant 13 : i32
      %eq3A_690 = vector.broadcast %eq3A_689 : i32 to vector<16xi32>
      %eq3A_691 = arith.cmpi eq, %iota3A, %eq3A_690 : vector<16xi32>
      %add3A_692 = arith.addf %select_n3A_658, %add3A_688 : vector<16xf32>
      %select_n3A_693 = arith.select %eq3A_691, %add3A_692, %select_n3A_658 : vector<16xi1>, vector<16xf32>
      %add3A_694 = arith.constant 14 : i32
      %add3A_695 = arith.addi %mul3A_207, %add3A_694 : i32
      %get3A_696 = arith.index_cast %add3A_695 : i32 to index
      %get3A_697 = arith.constant 0 : index
      %get3A_698 = tpu.vector_load %arg11[%get3A_696, %get3A_697] {strides = array<i32>} : memref<512x16xf32, #tpu.memory_space<vmem>>, vector<1x16xf32>,
      %get3A_699 = vector.shape_cast %get3A_698 : vector<1x16xf32> to vector<16xf32>
      %add3A_700 = arith.constant 14 : i32
      %add3A_701 = arith.addi %mul3A_207, %add3A_700 : i32
      %get3A_702 = arith.index_cast %add3A_701 : i32 to index
      %get3A_703 = arith.constant 0 : index
      %get3A_704 = tpu.vector_load %arg12[%get3A_702, %get3A_703] {strides = array<i32>} : memref<512x16xf32, #tpu.memory_space<vmem>>, vector<1x16xf32>,
      %get3A_705 = vector.shape_cast %get3A_704 : vector<1x16xf32> to vector<16xf32>
      %mul3A_706 = arith.mulf %get3A_699, %get3A_705 : vector<16xf32>
      %mul3A_707 = arith.mulf %mul3A_706, %get3A_185 : vector<16xf32>
      %broadcast_in_dim3A_708 = vector.shape_cast %xor3A_199 : vector<16xi32> to vector<16x1xi32>
      %gather3A_709 = vector.shape_cast %broadcast_in_dim3A_708 : vector<16x1xi32> to vector<16xi32>
      %gather3A_710 = tpu.dynamic_gather %mul3A_707[%gather3A_709] in [0] : vector<16xf32>, vector<16xi32> -> vector<16xf32>
      %add3A_711 = arith.addf %mul3A_707, %gather3A_710 : vector<16xf32>
      %broadcast_in_dim3A_712 = vector.shape_cast %xor3A_196 : vector<16xi32> to vector<16x1xi32>
      %gather3A_713 = vector.shape_cast %broadcast_in_dim3A_712 : vector<16x1xi32> to vector<16xi32>
      %gather3A_714 = tpu.dynamic_gather %add3A_711[%gather3A_713] in [0] : vector<16xf32>, vector<16xi32> -> vector<16xf32>
      %add3A_715 = arith.addf %add3A_711, %gather3A_714 : vector<16xf32>
      %broadcast_in_dim3A_716 = vector.shape_cast %xor3A_193 : vector<16xi32> to vector<16x1xi32>
      %gather3A_717 = vector.shape_cast %broadcast_in_dim3A_716 : vector<16x1xi32> to vector<16xi32>
      %gather3A_718 = tpu.dynamic_gather %add3A_715[%gather3A_717] in [0] : vector<16xf32>, vector<16xi32> -> vector<16xf32>
      %add3A_719 = arith.addf %add3A_715, %gather3A_718 : vector<16xf32>
      %broadcast_in_dim3A_720 = vector.shape_cast %xor3A_190 : vector<16xi32> to vector<16x1xi32>
      %gather3A_721 = vector.shape_cast %broadcast_in_dim3A_720 : vector<16x1xi32> to vector<16xi32>
      %gather3A_722 = tpu.dynamic_gather %add3A_719[%gather3A_721] in [0] : vector<16xf32>, vector<16xi32> -> vector<16xf32>
      %add3A_723 = arith.addf %add3A_719, %gather3A_722 : vector<16xf32>
      %eq3A_724 = arith.constant 14 : i32
      %eq3A_725 = vector.broadcast %eq3A_724 : i32 to vector<16xi32>
      %eq3A_726 = arith.cmpi eq, %iota3A, %eq3A_725 : vector<16xi32>
      %add3A_727 = arith.addf %select_n3A_693, %add3A_723 : vector<16xf32>
      %select_n3A_728 = arith.select %eq3A_726, %add3A_727, %select_n3A_693 : vector<16xi1>, vector<16xf32>
      %add3A_729 = arith.constant 15 : i32
      %add3A_730 = arith.addi %mul3A_207, %add3A_729 : i32
      %get3A_731 = arith.index_cast %add3A_730 : i32 to index
      %get3A_732 = arith.constant 0 : index
      %get3A_733 = tpu.vector_load %arg11[%get3A_731, %get3A_732] {strides = array<i32>} : memref<512x16xf32, #tpu.memory_space<vmem>>, vector<1x16xf32>,
      %get3A_734 = vector.shape_cast %get3A_733 : vector<1x16xf32> to vector<16xf32>
      %add3A_735 = arith.constant 15 : i32
      %add3A_736 = arith.addi %mul3A_207, %add3A_735 : i32
      %get3A_737 = arith.index_cast %add3A_736 : i32 to index
      %get3A_738 = arith.constant 0 : index
      %get3A_739 = tpu.vector_load %arg12[%get3A_737, %get3A_738] {strides = array<i32>} : memref<512x16xf32, #tpu.memory_space<vmem>>, vector<1x16xf32>,
      %get3A_740 = vector.shape_cast %get3A_739 : vector<1x16xf32> to vector<16xf32>
      %mul3A_741 = arith.mulf %get3A_734, %get3A_740 : vector<16xf32>
      %mul3A_742 = arith.mulf %mul3A_741, %get3A_185 : vector<16xf32>
      %broadcast_in_dim3A_743 = vector.shape_cast %xor3A_199 : vector<16xi32> to vector<16x1xi32>
      %gather3A_744 = vector.shape_cast %broadcast_in_dim3A_743 : vector<16x1xi32> to vector<16xi32>
      %gather3A_745 = tpu.dynamic_gather %mul3A_742[%gather3A_744] in [0] : vector<16xf32>, vector<16xi32> -> vector<16xf32>
      %add3A_746 = arith.addf %mul3A_742, %gather3A_745 : vector<16xf32>
      %broadcast_in_dim3A_747 = vector.shape_cast %xor3A_196 : vector<16xi32> to vector<16x1xi32>
      %gather3A_748 = vector.shape_cast %broadcast_in_dim3A_747 : vector<16x1xi32> to vector<16xi32>
      %gather3A_749 = tpu.dynamic_gather %add3A_746[%gather3A_748] in [0] : vector<16xf32>, vector<16xi32> -> vector<16xf32>
      %add3A_750 = arith.addf %add3A_746, %gather3A_749 : vector<16xf32>
      %broadcast_in_dim3A_751 = vector.shape_cast %xor3A_193 : vector<16xi32> to vector<16x1xi32>
      %gather3A_752 = vector.shape_cast %broadcast_in_dim3A_751 : vector<16x1xi32> to vector<16xi32>
      %gather3A_753 = tpu.dynamic_gather %add3A_750[%gather3A_752] in [0] : vector<16xf32>, vector<16xi32> -> vector<16xf32>
      %add3A_754 = arith.addf %add3A_750, %gather3A_753 : vector<16xf32>
      %broadcast_in_dim3A_755 = vector.shape_cast %xor3A_190 : vector<16xi32> to vector<16x1xi32>
      %gather3A_756 = vector.shape_cast %broadcast_in_dim3A_755 : vector<16x1xi32> to vector<16xi32>
      %gather3A_757 = tpu.dynamic_gather %add3A_754[%gather3A_756] in [0] : vector<16xf32>, vector<16xi32> -> vector<16xf32>
      %add3A_758 = arith.addf %add3A_754, %gather3A_757 : vector<16xf32>
      %eq3A_759 = arith.constant 15 : i32
      %eq3A_760 = vector.broadcast %eq3A_759 : i32 to vector<16xi32>
      %eq3A_761 = arith.cmpi eq, %iota3A, %eq3A_760 : vector<16xi32>
      %add3A_762 = arith.addf %select_n3A_728, %add3A_758 : vector<16xf32>
      %select_n3A_763 = arith.select %eq3A_761, %add3A_762, %select_n3A_728 : vector<16xi1>, vector<16xf32>
      %swap3A = arith.index_cast %mul3A_207 : i32 to index
      %swap3A_764 = tpu.vector_load %arg13[%swap3A] {strides = array<i32>} : memref<512xf32, #tpu.memory_space<vmem>>, vector<16xf32>,
      %swap3A_765 = vector.shape_cast %swap3A_764 : vector<16xf32> to vector<16xf32>
      %swap3A_766 = vector.shape_cast %select_n3A_763 : vector<16xf32> to vector<16xf32>
      tpu.vector_store %arg13[%swap3A], %swap3A_766 {strides = array<i32>} : memref<512xf32, #tpu.memory_space<vmem>>, vector<16xf32>,
    }
    %scan3A_204 = arith.constant 32 : i32
    "tpu.region"() ({
      %run_scoped3A_205 = tpu.sem_alloc : memref<!tpu.dma_semaphore, #tpu.memory_space<semaphore_mem>>
      %dma_start3A_206 = tpu.memref_slice %arg8[%mul3A_2] : memref<16384xf32, #tpu.memory_space<hbm>> -> memref<512xf32, #tpu.memory_space<hbm>>
      %dma_start3A_207 = tpu.memref_slice %arg8[%mul3A_2] : memref<16384xf32, #tpu.memory_space<hbm>> -> memref<512xf32, #tpu.memory_space<hbm>>
      tpu.enqueue_dma source(%arg13 : memref<512xf32, #tpu.memory_space<vmem>>) target(%dma_start3A_207 : memref<512xf32, #tpu.memory_space<hbm>>) target_semaphore(%run_scoped3A_205 : memref<!tpu.dma_semaphore, #tpu.memory_space<semaphore_mem>>)
      %dma_wait3A_208 = tpu.memref_slice %arg8[%mul3A_2] : memref<16384xf32, #tpu.memory_space<hbm>> -> memref<512xf32, #tpu.memory_space<hbm>>
      %dma_wait3A_209 = tpu.memref_slice %arg8[%mul3A_2] : memref<16384xf32, #tpu.memory_space<hbm>> -> memref<512xf32, #tpu.memory_space<hbm>>
      tpu.wait_dma2 semaphore(%run_scoped3A_205 : memref<!tpu.dma_semaphore, #tpu.memory_space<semaphore_mem>>) src(%arg13 : memref<512xf32, #tpu.memory_space<vmem>>) dst(%dma_wait3A_209 : memref<512xf32, #tpu.memory_space<hbm>>)
      tpu.yield
    }) : () -> ()
    return
  }
}

</mosaic_0001>

<sc_bundles>
// kernel: kernel.3.cloned.1.call-start
scs
__scs_entry_jumppad:
0x0: {  	(pc) =	sbr.rel $0x88, $3  }
0x1: {  	(tag) =	ssettag $0x0;
	lr =	simm.s32 $0x1  }
0x2: {  	[smem:$0x3F9B] =	sst lr;
	_ =	strace $0xD0000000  }
0x3: {  	_ = 	snop  }
0x4: {  	_ = 	snop  }
0x5: {  	_ = 	snop  }
0x6: {  	_ = 	snop  }
0x7: {  	_ = 	snop  }
__scs_overlays_trampoline_lowered:
0x8: {  	[smem:$0x3FAA] =	sst s0  }
0x9: {  	[smem:$0x3FAB] =	sst s1  }
0xa: {  	[smem:$0x3FAC] =	sst s2  }
0xb: {  	[smem:$0x3FAD] =	sst s3  }
0xc: {  	[smem:$0x3FAE] =	sst s4  }
0xd: {  	[smem:$0x3FAF] =	sst s5  }
0xe: {  	[smem:$0x3FB0] =	sst s6  }
0xf: {  	[smem:$0x3FB1] =	sst s7  }
0x10: {  	[smem:$0x3FB2] =	sst s8  }
0x11: {  	[smem:$0x3FB3] =	sst s9;
	s0 =	simm.s32 @!p0 $0x0  }
0x12: {  	s1 =	sld [smem:$0x3F99];
	s0 =	simm.s32 @p0 $0x1  }
0x13: {  	[smem:$0x3FB4] =	sst s0;
	s0 =	simm.s32 @!p1 $0x0  }
0x14: {  	s2 =	sld [smem:$0x3F98];
	s0 =	simm.s32 @p1 $0x1  }
0x15: {  	[smem:$0x3FB5] =	sst s0;
	s0 =	simm.s32 @!p2 $0x0  }
0x16: {  	s3 =	sld [smem:$0x3FDB];
	s0 =	simm.s32 @p2 $0x1  }
0x17: {  	s4 =	simm.s32 $0x1BF5;
	[smem:$0x3FB7] =	sst s0  }
0x18: {  	s0 =	sld [smem:$0x3F9A];
	_ =	swait.ge [sflag:s4], $0x0  }
0x19: {  	s7 =	sld [smem:$0x3F9B]  }
0x1a: {  	s8 =	sadd.s32 $0xFFFFE003, lr  }
0x1b: {  	s9 =	sadd.s32 $0xFFFFFEF7, lr;
	s5 =	simm.s32 $0xFFFFFFFF;
	p2 =	slt.u32 s8, $0xFFFFF086  }
0x1c: {  	p1 =	slt.u32 s9, $0xF7A;
	s5 =	simm.s32 @!p2 $0x0  }
0x1d: {  	s5 =	simm.s32 @p1 $0x1;
	p0 =	seq.s32 s7, s2  }
0x1e: {  	s7 =	smul.u32 @!p0 $0xF7A, s2;
	p2 =	seq.s32 @!p0 s5, $0x0  }
0x1f: {  	s9 =	smul.u32 $0xF7A, s1;
	s8 =	simm.s32 @!p0 $0x1BF5;
	p2 =	por !p2, p0  }
0x20: {  	[sflag:s8] =	ssyncset.s32 @!p0 $0xFFFFF086;
	s6 =	sadd.s32 @!p0 s3, s7;
	s7 =	simm.s32 @!p0 $0x108  }
0x21: {  	s3 =	sadd.s32 s3, s9;
	s6 =	sadd.s32 @!p0 $0x88, s6;
	s7 =	simm.s32 @p2 $0x1082  }
0x22: {  	[simem:s7], [sflag:s8] =	dma.local @!p0 [hbm:s6], $0xF7A  }
0x23: {  	s9 =	sor.u32 $0xD0000000, s2;
	s6 =	simm.s32 $0x108;
	_ =	swait.ge @!p0 [sflag:s8], $0x0  }
0x24: {  	s3 =	sadd.s32 $0x88, s3;
	s6 =	simm.s32 @!p1 $0x1082;
	[sflag:s4] =	ssyncset.s32 $0xFFFFF086  }
0x25: {  	[simem:s6], [sflag:s4] =	dma.local [hbm:s3], $0xF7A  }
0x26: {  	[smem:$0x3F9B] =	sst s1;
	(tag) =	ssettag s2;
	_ =	strace s9  }
0x27: {  	s1 =	sld [smem:$0x3FAB]  }
0x28: {  	s2 =	sld [smem:$0x3FAC]  }
0x29: {  	s4 =	sld [smem:$0x3FAE]  }
0x2a: {  	p0 =	seq.s32 s5, $0x0;
	s5 =	sld [smem:$0x3FAF]  }
0x2b: {  	s6 =	sld [smem:$0x3FB0]  }
0x2c: {  	s7 =	sld [smem:$0x3FB1]  }
0x2d: {  	s3 =	simm.s32 $0x108;
	s8 =	sld [smem:$0x3FB2]  }
0x2e: {  	s3 =	simm.s32 @!p0 $0x1082;
	s9 =	sld [smem:$0x3FB3]  }
0x2f: {  	lr =	sadd.s32 s0, s3;
	s0 =	sld [smem:$0x3FAA]  }
0x30: {  	s3 =	sld [smem:$0x3FAD]  }
0x31: {  	[smem:$0x3FB6] =	sst s10  }
0x32: {  	s10 =	sld [smem:$0x3FB4];
	_ =	sdelay $0x3  }
0x33: {  	p0 =	seq.s32 s10, $0x1;
	s10 =	sld [smem:$0x3FB6];
	_ =	sdelay $0x3  }
0x34: {  	[smem:$0x3FB6] =	sst s10  }
0x35: {  	s10 =	sld [smem:$0x3FB5];
	_ =	sdelay $0x3  }
0x36: {  	p1 =	seq.s32 s10, $0x1;
	s10 =	sld [smem:$0x3FB6];
	_ =	sdelay $0x3  }
0x37: {  	[smem:$0x3FB6] =	sst s10  }
0x38: {  	s10 =	sld [smem:$0x3FB7]  }
0x39: {  	_ = 	snop;
	(pc) =	sbr.ind lr, $3  }
0x3a: {  	_ = 	snop  }
0x3b: {  	_ = 	snop  }
0x3c: {  	p2 =	seq.s32 s10, $0x1;
	s10 =	sld [smem:$0x3FB6]  }
0x3d: {  	_ =	shalt  }
0x3e: {  	_ =	shalt  }
0x3f: {  	_ =	shalt  }
0x40: {  	_ =	shalt  }
0x41: {  	_ =	shalt  }
0x42: {  	_ =	shalt  }
0x43: {  	_ =	shalt  }
0x44: {  	_ =	shalt  }
0x45: {  	_ =	shalt  }
0x46: {  	_ =	shalt  }
0x47: {  	_ =	shalt  }
0x48: {  	_ =	shalt  }
0x49: {  	_ =	shalt  }
0x4a: {  	_ =	shalt  }
0x4b: {  	_ =	shalt  }
0x4c: {  	_ =	shalt  }
0x4d: {  	_ =	shalt  }
0x4e: {  	_ =	shalt  }
0x4f: {  	_ =	shalt  }
0x50: {  	_ =	shalt  }
0x51: {  	_ =	shalt  }
0x52: {  	_ =	shalt  }
0x53: {  	_ =	shalt  }
0x54: {  	_ =	shalt  }
0x55: {  	_ =	shalt  }
0x56: {  	_ =	shalt  }
0x57: {  	_ =	shalt  }
0x58: {  	_ =	shalt  }
0x59: {  	_ =	shalt  }
0x5a: {  	_ =	shalt  }
0x5b: {  	_ =	shalt  }
0x5c: {  	_ =	shalt  }
0x5d: {  	_ =	shalt  }
0x5e: {  	_ =	shalt  }
0x5f: {  	_ =	shalt  }
0x60: {  	_ =	shalt  }
0x61: {  	_ =	shalt  }
0x62: {  	_ =	shalt  }
0x63: {  	_ =	shalt  }
0x64: {  	_ =	shalt  }
0x65: {  	_ =	shalt  }
0x66: {  	_ =	shalt  }
0x67: {  	_ =	shalt  }
0x68: {  	_ =	shalt  }
0x69: {  	_ =	shalt  }
0x6a: {  	_ =	shalt  }
0x6b: {  	_ =	shalt  }
0x6c: {  	_ =	shalt  }
0x6d: {  	_ =	shalt  }
0x6e: {  	_ =	shalt  }
0x6f: {  	_ =	shalt  }
0x70: {  	_ =	shalt  }
0x71: {  	_ =	shalt  }
0x72: {  	_ =	shalt  }
0x73: {  	_ =	shalt  }
0x74: {  	_ =	shalt  }
0x75: {  	_ =	shalt  }
0x76: {  	_ =	shalt  }
0x77: {  	_ =	shalt  }
0x78: {  	_ =	shalt  }
0x79: {  	_ =	shalt  }
0x7a: {  	_ =	shalt  }
0x7b: {  	_ =	shalt  }
0x7c: {  	_ =	shalt  }
0x7d: {  	_ =	shalt  }
0x7e: {  	_ =	shalt  }
0x7f: {  	_ =	shalt  }
0x80: {  	_ =	shalt  }
0x81: {  	_ =	shalt  }
0x82: {  	_ =	shalt  }
0x83: {  	_ =	shalt  }
0x84: {  	_ =	shalt  }
0x85: {  	_ =	shalt  }
0x86: {  	_ =	shalt  }
0x87: {  	_ =	shalt  }
.Lfunc_end0:
.L_simem_size_0:
called_computation_lowered:
.L_overlay_start_0:
0x88: {  	s2 =	sld [smem:$0x3FD9]  }
0x89: {  	s3 =	sld [smem:$0x3FFE];
	_ =	sdelay $0x1  }
0x8a: {  	s1 =	srdreg.scid  }
0x8b: {  	s0 =	sand.u32 $0x1, s1  }
0x8c: {  	s17 =	sshll.u32 s0, $0xA;
	s2 =	sadd.s32 s3, s2  }
0x8d: {  	s2 =	sadd.s32 s2, s17  }
0x8e: {  	[smem:$0x3FC2] =	sst s2  }
0x8f: {  	_ = 	snop  }
0x90: {  	s2 =	sld [smem:$0x3FC9]  }
0x91: {  	s18 =	sld [smem:$0x3FC8]  }
0x92: {  	s4 =	sld [smem:$0x3FC5]  }
0x93: {  	s5 =	sld [smem:$0x3FD0];
	(tm) =	ssettm $0x1  }
0x94: {  	s6 =	sld [smem:$0x3FFB];
	_ =	sdelay $0x3  }
0x95: {  	_ =	strace s6  }
0x96: {  	s6 =	sld [smem:$0x3FFC];
	_ =	sdelay $0x3  }
0x97: {  	_ =	strace s6  }
0x98: {  	s6 =	sld [smem:$0x3FFD];
	_ =	sdelay $0x3  }
0x99: {  	_ =	strace s6  }
0x9a: {  	_ =	strace $0x8FFFFFFF  }
0x9b: {  	s19 =	sld [smem:$0x3FDB];
	_ =	sdelay $0x1  }
0x9c: {  	s7 =	simm.s32 $_scs_section_size  }
0x9d: {  	s8 =	simm.s32 $_size__tile_overlayer_lowered;
	s9 =	simm.s32 $_tile_overlayer_lowered  }
0x9e: {  	s22 =	simm.s32 $0x1BFF;
	s21 =	sshll.u32 s9, $0x1;
	s6 =	sadd.s32 s7, s19  }
0x9f: {  	s10 =	simm.s32 $0x0;
	s20 =	sshll.u32 s8, $0x1;
	s8 =	sadd.s32 s21, s6  }
0xa0: {  	[timem:s10], [sflag:s22] =	dma.local [hbm:s8], s20  }
0xa1: {  	_ =	swait.ge [sflag:s22], s20  }
0xa2: {  	s7 =	ssub.s32 $0x0, s20;
	[sflag:s22] =	ssyncset.done $0x0  }
0xa3: {  	[sflag:s22] =	ssyncadd.s32 s7;
	_ =	sdelay $0x1  }
0xa4: {  	s23 =	simm.s32 $0x1B8B  }
0xa5: {  	_ =	swait.ge [sflag:s23], $0x1  }
0xa6: {  	[sflag:s23] =	ssyncset.done $0x0  }
0xa7: {  	s25 =	simm.s32 $0x1B8E;
	s24 =	sld [smem:$0x3FFE];
	[sflag:s23] =	ssyncadd.s32 $0xFFFFFFFF  }
0xa8: {  	s26 =	simm.s32 $execute0_lowered;
	[smem:$0x3FD2] =	sst s25  }
0xa9: {  	s8 =	sshll.u32 s26, $0x1;
	_ =	strace $0x80000046;
	[dreg:$0x1] =	wrdreg $0xFFFFFFFF  }
0xaa: {  	s28 =	simm.s32 $_size_execute0_lowered;
	s6 =	sadd.s32 s6, s8;
	[dreg:$0x0] =	wrdreg $0x0  }
0xab: {  	s8 =	sshll.u32 s28, $0x1;
	[dreg:$0x2] =	wrdreg s6  }
0xac: {  	[dreg:$0x3] =	wrdreg s8  }
0xad: {  	[dreg:$0x4] =	wrdreg $0xC0  }
0xae: {  	_ =	task [dreg:s10], $0x5FFFF  }
0xaf: {  	[dreg:$0x1] =	wrdreg $0xFFFFFFFF  }
0xb0: {  	[dreg:$0x0] =	wrdreg $0x60  }
0xb1: {  	[dreg:$0x2] =	wrdreg s2  }
0xb2: {  	[dreg:$0x3] =	wrdreg s18  }
0xb3: {  	[dreg:$0x4] =	wrdreg s24  }
0xb4: {  	[dreg:$0x5] =	wrdreg s4  }
0xb5: {  	[dreg:$0x6] =	wrdreg s5  }
0xb6: {  	[dreg:$0x7] =	wrdreg $0x9  }
0xb7: {  	_ =	task.clear_ibuf [dreg:s10], $0x8FFFF;
	_ =	strace $0x90000046  }
0xb8: {  	s29 =	simm.s32 $0x9;
	_ =	strace $0x80000048  }
0xb9: {  	_ =	swait.ge [sflag:s29], $0x1  }
0xba: {  	[sflag:s29] =	ssyncadd.s32 $0xFFFFFFFF  }
0xbb: {  	_ =	strace $0x90000048  }
0xbc: {  	_ =	sfence  }
0xbd: {  	s30 =	sld [smem:$0x0];
	_ =	sdelay $0x2  }
0xbe: {  	s31 =	sshll.u32 s1, $0xD;
	s1 =	sshrl.u32 s1, $0x2  }
0xbf: {  	s3 =	sand.u32 $0x4000, s31;
	s1 =	sadd.s32 s1, s30  }
0xc0: {  	s0 =	sor.u32 s3, s0;
	s1 =	sshll.u32 s1, $0x11  }
0xc1: {  	s0 =	sor.u32 s1, s0  }
0xc2: {  	s0 =	sadd.s32 $0x8F2B, s0  }
0xc3: {  	[sflag:s0] =	ssyncadd.remote.s32 $0x1  }
0xc4: {  	_ =	sfence.sel $0xFFFF  }
0xc5: {  	[dreg:$0x0] =	wrdreg $0xFFFFFFFF;
	(pc) =	sbr.abs _section_cstart, $3  }
0xc6: {  	[dreg:$0x1] =	wrdreg $0xFFFFFFFF  }
0xc7: {  	_ =	task.clear_ibuf [dreg:s10], $0x2FFFF;
	_ =	strace $0x9FFFFFFF  }
0xc8: {  	(tm) =	ssettm $0x7FFFFFFF  }
0xc9: {  	_ =	shalt  }
tec
execute0_lowered:
.L_overlay_start_1:
0x0: {  	(tag) =	ssettag $0x1  }
0x1: {  	v0 =	vimm.s32 $0xFEDCBA98;
	v1 =	vimm.s32 $0x76543210;
	v2 =	vimm.s32 $0xBA98FEDC  }
0x2: {  	s0 =	rddreg [dreg:$0x0];
	v3 =	vimm.s32 $0x32107654;
	v4 =	vimm.s32 $0xDCFE98BA;
	v5 =	vimm.s32 $0x54761032  }
0x3: {  	s1 =	rddreg [dreg:$0x1];
	v6 =	vimm.s32 $0xEFCDAB89;
	v7 =	vimm.s32 $0x67452301;
	vm0 =	vmmov $0x1  }
0x4: {  	s4 =	rddreg [dreg:$0x2];
	vm1 =	vcmask $0x30C;
	vm2 =	vcmask $0xF0C;
	vm3 =	vcmask $0x714  }
0x5: {  	s15 =	rddreg [dreg:$0x4];
	s2 =	simm.s32 $0x0;
	vm4 =	vcmask $0xF18;
	vm5 =	vcmask $0x131C;
	vm6 =	vcmask $0x1F1C  }
0x6: {  	s5 =	srdreg.scid;
	s6 =	stileid.u32;
	s17 =	simm.s32 $0x2;
	vm7 =	vcmask $0x1724;
	vm8 =	vcmask $0x1F28;
	vm9 =	vcmask $0x232C  }
0x7: {  	s18 =	simm.s32 $0x200;
	s19 =	simm.s32 $0x80;
	s20 =	simm.s32 $0x280;
	vm10 =	vcmask $0x2F2C;
	vm11 =	vcmask $0x2734;
	vm12 =	vcmask $0x2F38  }
0x8: {  	s21 =	simm.s32 $0x100;
	s22 =	simm.s32 $0x300;
	s23 =	simm.s32 $0x180;
	vm13 =	vcmask $0x333C;
	vm14 =	vmmov $0x3fff;
	vm15 =	vmmov $0x7fff  }
0x9: {  	s24 =	simm.s32 $0x380;
	s25 =	simm.s32 $0x3C00;
	s26 =	simm.s32 $0x1;
	v0 =	vunpack.c.l.s4.s8 v0;
	v1 =	vunpack.c.l.s4.s8 v1;
	v2 =	vunpack.c.l.s4.s8 v2  }
0xa: {  	s28 =	simm.s32 $0x4400;
	s29 =	simm.s32 $0x0;
	[smem:$0x7FF] =	sst s2;
	v3 =	vunpack.c.l.s4.s8 v3;
	v4 =	vunpack.c.l.s4.s8 v4;
	v5 =	vunpack.c.l.s4.s8 v5  }
0xb: {  	s3 =	sadd.s32 $0x112AE00, s4;
	s5 =	sand.u32 $0x1, s5;
	s6 =	sshll.u32 s6, $0x7;
	v6 =	vunpack.c.l.s4.s8 v6;
	v7 =	vunpack.c.l.s4.s8 v7;
	vm2 =	vmor vm3, vm2  }
0xc: {  	vm3 =	vcmask $0xB14;
	vm6 =	vmor vm7, vm6;
	_ =	strace $0x80000047;
	s7 =	ssub.s32 $0x2, s5;
	s8 =	sshll.u32 s5, $0x6;
	v0 =	vunpack.c.0.s8.s32 v0  }
0xd: {  	s5 =	sadd.s32 $0xF42800, s4;
	s9 =	sshrl.u32 s7, $0x1;
	s16 =	sor.u32 s8, s6;
	v2 =	vunpack.c.0.s8.s32 v2;
	v3 =	vunpack.c.0.s8.s32 v3;
	v4 =	vunpack.c.0.s8.s32 v4  }
0xe: {  	s6 =	sadd.s32 $0x400, s4;
	v5 =	vunpack.c.0.s8.s32 v5;
	v6 =	vunpack.c.0.s8.s32 v6;
	v7 =	vunpack.c.0.s8.s32 v7;
	s31 =	ssub.s32 s7, s9;
	s10 =	sor.u32 $0x10, s16  }
0xf: {  	vm7 =	vcmask $0x1B24;
	v1 =	vunpack.c.0.s8.s32 v1;
	s7 =	sadd.s32 s0, s16;
	s8 =	sadd.s32 s1, s16;
	s12 =	sor.u32 $0x20, s16;
	v2 =	vcombine.low v3, v2  }
0x10: {  	s14 =	sor.u32 $0x30, s16;
	s15 =	sadd.s32 s15, s16;
	s9 =	sadd.s32 s0, s10;
	v3 =	vcombine.low v5, v4;
	v4 =	vcombine.low v7, v6;
	v0 =	vand.u32 $0xF, v0  }
0x11: {  	vm10 =	vmor vm11, vm10;
	vm11 =	vcmask $0x2B34;
	s10 =	sadd.s32 s1, s10;
	s11 =	sadd.s32 s0, s12;
	s12 =	sadd.s32 s1, s12;
	v0 =	vcombine.low v0, v1  }
0x12: {  	s13 =	sadd.s32 s0, s14;
	s14 =	sadd.s32 s1, s14;
	s16 =	smax.u32 s31, $0x1;
	v1 =	vand.u32 $0xF, v2;
	v2 =	vand.u32 $0xF, v3;
	v3 =	vand.u32 $0xF, v4  }
.LBB2_1:
0x13: {  	[tilespmem:s2], [sflag:$0x2] =	stream.linear.gather [hbm4b:s7+s2], $0x80, $0x38;
	[tilespmem:$0x4620] =	vst v63  }
0x14: {  	_ =	swait.ge [sflag:s17], $0x80  }
0x15: {  	[sflag:s17] =	ssyncset.done $0x0  }
0x16: {  	[sflag:s17] =	ssyncadd.s32 $0xFFFFFF80  }
0x17: {  	[tilespmem:s18], [sflag:$0x2] =	stream.linear.gather [hbm4b:s8+s2], $0x80, $0x38;
	[tilespmem:$0x4620] =	vst v63  }
0x18: {  	_ =	swait.ge [sflag:s17], $0x80  }
0x19: {  	[sflag:s17] =	ssyncset.done $0x0  }
0x1a: {  	[sflag:s17] =	ssyncadd.s32 $0xFFFFFF80  }
0x1b: {  	[tilespmem:s19], [sflag:$0x2] =	stream.linear.gather [hbm4b:s9+s2], $0x80, $0x38;
	[tilespmem:$0x4620] =	vst v63  }
0x1c: {  	_ =	swait.ge [sflag:s17], $0x80  }
0x1d: {  	[sflag:s17] =	ssyncset.done $0x0  }
0x1e: {  	[sflag:s17] =	ssyncadd.s32 $0xFFFFFF80  }
0x1f: {  	[tilespmem:s20], [sflag:$0x2] =	stream.linear.gather [hbm4b:s10+s2], $0x80, $0x38;
	[tilespmem:$0x4620] =	vst v63  }
0x20: {  	_ =	swait.ge [sflag:s17], $0x80  }
0x21: {  	[sflag:s17] =	ssyncset.done $0x0  }
0x22: {  	[sflag:s17] =	ssyncadd.s32 $0xFFFFFF80  }
0x23: {  	[tilespmem:s21], [sflag:$0x2] =	stream.linear.gather [hbm4b:s11+s2], $0x80, $0x38;
	[tilespmem:$0x4620] =	vst v63  }
0x24: {  	_ =	swait.ge [sflag:s17], $0x80  }
0x25: {  	[sflag:s17] =	ssyncset.done $0x0  }
0x26: {  	[sflag:s17] =	ssyncadd.s32 $0xFFFFFF80  }
0x27: {  	[tilespmem:s22], [sflag:$0x2] =	stream.linear.gather [hbm4b:s12+s2], $0x80, $0x38;
	[tilespmem:$0x4620] =	vst v63  }
0x28: {  	_ =	swait.ge [sflag:s17], $0x80  }
0x29: {  	[sflag:s17] =	ssyncset.done $0x0  }
0x2a: {  	[sflag:s17] =	ssyncadd.s32 $0xFFFFFF80  }
0x2b: {  	[tilespmem:s23], [sflag:$0x2] =	stream.linear.gather [hbm4b:s13+s2], $0x80, $0x38;
	[tilespmem:$0x4620] =	vst v63  }
0x2c: {  	_ =	swait.ge [sflag:s17], $0x80  }
0x2d: {  	[sflag:s17] =	ssyncset.done $0x0  }
0x2e: {  	[sflag:s17] =	ssyncadd.s32 $0xFFFFFF80  }
0x2f: {  	[tilespmem:s24], [sflag:$0x2] =	stream.linear.gather [hbm4b:s14+s2], $0x80, $0x38;
	[tilespmem:$0x4620] =	vst v63  }
0x30: {  	_ =	swait.ge [sflag:s17], $0x80  }
0x31: {  	[sflag:s17] =	ssyncset.done $0x0  }
0x32: {  	[sflag:s17] =	ssyncadd.s32 $0xFFFFFF80  }
0x33: {  	s1 =	simm.s32 $0x4600;
	s0 =	rddreg [dreg:$0x3]  }
0x34: {  	[tilespmem:s1], [sflag:$0x2] =	stream.linear.gather [hbm4b:s0+s2], $0x10, $0x38;
	[tilespmem:$0x4620] =	vst v63  }
0x35: {  	_ =	swait.ge [sflag:s17], $0x10  }
0x36: {  	[sflag:s17] =	ssyncset.done $0x0  }
0x37: {  	s1 =	simm.s32 $0x4610;
	[sflag:s17] =	ssyncadd.s32 $0xFFFFFFF0  }
0x38: {  	[tilespmem:s1], [sflag:$0x2] =	stream.linear.gather [hbm4b:s6+s2], $0x10, $0x38;
	[tilespmem:$0x4620] =	vst v63  }
0x39: {  	_ =	swait.ge [sflag:s17], $0x10  }
0x3a: {  	[sflag:s17] =	ssyncset.done $0x0  }
0x3b: {  	s4 =	simm.s32 $0x400;
	[sflag:s17] =	ssyncadd.s32 $0xFFFFFFF0  }
0x3c: {  	[tilespmem:s4], [sflag:$0x1] =	stream.indirect.gather [hbm4b:s3+s19], $0x10, s2, s19, $0xb8;
	[tilespmem:$0x4620] =	vst v63  }
0x3d: {  	s1 =	simm.s32 $0x2400  }
0x3e: {  	[tilespmem:s1], [sflag:$0x1] =	stream.indirect.gather [hbm4b:s5+s19], $0x10, s18, s19, $0xb8;
	[tilespmem:$0x4620] =	vst v63  }
0x3f: {  	s4 =	simm.s32 $0xC00  }
0x40: {  	[tilespmem:s4], [sflag:$0x1] =	stream.indirect.gather [hbm4b:s3+s19], $0x10, s19, s19, $0xb8;
	[tilespmem:$0x4620] =	vst v63  }
0x41: {  	s1 =	simm.s32 $0x2C00  }
0x42: {  	[tilespmem:s1], [sflag:$0x1] =	stream.indirect.gather [hbm4b:s5+s19], $0x10, s20, s19, $0xb8;
	[tilespmem:$0x4620] =	vst v63  }
0x43: {  	s4 =	simm.s32 $0x1400  }
0x44: {  	[tilespmem:s4], [sflag:$0x1] =	stream.indirect.gather [hbm4b:s3+s19], $0x10, s21, s19, $0xb8;
	[tilespmem:$0x4620] =	vst v63  }
0x45: {  	s1 =	simm.s32 $0x3400  }
0x46: {  	[tilespmem:s1], [sflag:$0x1] =	stream.indirect.gather [hbm4b:s5+s19], $0x10, s22, s19, $0xb8;
	[tilespmem:$0x4620] =	vst v63  }
0x47: {  	s4 =	simm.s32 $0x1C00  }
0x48: {  	[tilespmem:s4], [sflag:$0x1] =	stream.indirect.gather [hbm4b:s3+s19], $0x10, s23, s19, $0xb8;
	[tilespmem:$0x4620] =	vst v63  }
0x49: {  	_ = 	snop  }
0x4a: {  	[tilespmem:s25], [sflag:$0x1] =	stream.indirect.gather [hbm4b:s5+s19], $0x10, s24, s19, $0xb8;
	[tilespmem:$0x4620] =	vst v63  }
0x4b: {  	_ =	swait.ge [sflag:s26], $0x800  }
0x4c: {  	[sflag:s26] =	ssyncset.done $0x0  }
0x4d: {  	[sflag:s26] =	ssyncadd.s32 $0xFFFFF800  }
0x4e: {  	_ =	swait.ge [sflag:s26], $0x800  }
0x4f: {  	[sflag:s26] =	ssyncset.done $0x0  }
0x50: {  	[sflag:s26] =	ssyncadd.s32 $0xFFFFF800  }
0x51: {  	_ =	swait.ge [sflag:s26], $0x800  }
0x52: {  	[sflag:s26] =	ssyncset.done $0x0  }
0x53: {  	[sflag:s26] =	ssyncadd.s32 $0xFFFFF800  }
0x54: {  	_ =	swait.ge [sflag:s26], $0x800  }
0x55: {  	[sflag:s26] =	ssyncset.done $0x0  }
0x56: {  	[sflag:s26] =	ssyncadd.s32 $0xFFFFF800  }
0x57: {  	_ =	swait.ge [sflag:s26], $0x800  }
0x58: {  	[sflag:s26] =	ssyncset.done $0x0  }
0x59: {  	[sflag:s26] =	ssyncadd.s32 $0xFFFFF800  }
0x5a: {  	_ =	swait.ge [sflag:s26], $0x800  }
0x5b: {  	[sflag:s26] =	ssyncset.done $0x0  }
0x5c: {  	[sflag:s26] =	ssyncadd.s32 $0xFFFFF800  }
0x5d: {  	_ =	swait.ge [sflag:s26], $0x800  }
0x5e: {  	[sflag:s26] =	ssyncset.done $0x0  }
0x5f: {  	[sflag:s26] =	ssyncadd.s32 $0xFFFFF800  }
0x60: {  	_ =	swait.ge [sflag:s26], $0x800  }
0x61: {  	[sflag:s26] =	ssyncset.done $0x0  }
0x62: {  	[sflag:s26] =	ssyncadd.s32 $0xFFFFF800  }
0x63: {  	s31 =	simm.s32 $0x0;
	v4 =	vld [tilespmem:$0x4600]  }
0x64: {  	v5 =	vld [tilespmem:s31+$0x450]  }
0x65: {  	v6 =	vld [tilespmem:s31+$0x2450]  }
0x66: {  	v7 =	vld [tilespmem:s31+$0x440]  }
0x67: {  	v8 =	vld [tilespmem:s31+$0x2440]  }
0x68: {  	v10 =	vld [tilespmem:s31+$0x430]  }
0x69: {  	v11 =	vld [tilespmem:s31+$0x2430]  }
0x6a: {  	v12 =	vld [tilespmem:s31+$0x2420]  }
0x6b: {  	v13 =	vld [tilespmem:s31+$0x420]  }
0x6c: {  	v9 =	vld [tilespmem:s31+$0x2410]  }
0x6d: {  	v7 =	vmul.f32 v8, v7;
	v8 =	vld [tilespmem:s31+$0x410]  }
0x6e: {  	v14 =	vld [tilespmem:s31+$0x400]  }
0x6f: {  	v15 =	vld [tilespmem:s31+$0x2400];
	v10 =	vmul.f32 v11, v10  }
0x70: {  	v12 =	vmul.f32 v12, v13;
	v5 =	vmul.f32 v6, v5  }
0x71: {  	v7 =	vmul.f32 v7, v4;
	v10 =	vmul.f32 v10, v4  }
0x72: {  	v5 =	vmul.f32 v5, v4;
	v8 =	vmul.f32 v9, v8  }
0x73: {  	v13 =	vld [tilespmem:s31+$0x460];
	v11 =	vperm.xlane v7, v0;
	v9 =	vmul.f32 v12, v4  }
0x74: {  	v6 =	vld [tilespmem:s31+$0x2460];
	v12 =	vmul.f32 v15, v14;
	v8 =	vmul.f32 v8, v4  }
0x75: {  	v16 =	vperm.xlane v5, v0;
	v14 =	vperm.xlane v9, v0  }
0x76: {  	v11 =	vadd.f32 v7, v11;
	v7 =	vmul.f32 v12, v4;
	v12 =	vperm.xlane v8, v0  }
0x77: {  	v9 =	vadd.f32 v9, v14;
	v14 =	vperm.xlane v10, v0  }
0x78: {  	v15 =	vld [tilespmem:s31+$0x2480];
	v5 =	vadd.f32 v5, v16;
	v17 =	vperm.xlane v7, v0;
	v8 =	vadd.f32 v8, v12  }
0x79: {  	v6 =	vmul.f32 v6, v13;
	v12 =	vld [tilespmem:s31+$0x480];
	v13 =	vperm.xlane v9, v1;
	v10 =	vadd.f32 v10, v14  }
0x7a: {  	v7 =	vadd.f32 v7, v17;
	v17 =	vperm.xlane v5, v1;
	v14 =	vperm.xlane v8, v1  }
0x7b: {  	v9 =	vadd.f32 v9, v13;
	v13 =	vperm.xlane v10, v1  }
0x7c: {  	v18 =	vperm.xlane v7, v1;
	v17 =	vadd.f32 v5, v17;
	v8 =	vadd.f32 v8, v14;
	v14 =	vld [tilespmem:s31+$0x470]  }
0x7d: {  	v6 =	vmul.f32 v6, v4;
	v19 =	vperm.xlane v9, v2;
	v10 =	vadd.f32 v10, v13;
	v13 =	vld [tilespmem:s31+$0x2470]  }
0x7e: {  	v7 =	vadd.f32 v7, v18;
	v22 =	vperm.xlane v17, v2;
	v12 =	vmul.f32 v15, v12  }
0x7f: {  	v15 =	vperm.xlane v8, v2;
	v18 =	vperm.xlane v10, v2  }
0x80: {  	v9 =	vadd.f32 v9, v19;
	v19 =	vperm.xlane v7, v2;
	v12 =	vmul.f32 v12, v4  }
0x81: {  	v8 =	vadd.f32 v8, v15;
	v15 =	vperm.xlane v6, v0;
	v10 =	vadd.f32 v10, v18  }
0x82: {  	v21 =	vld [tilespmem:s31+$0x24A0];
	v18 =	vperm.xlane v12, v0;
	v13 =	vmul.f32 v13, v14  }
0x83: {  	v23 =	vld [tilespmem:s31+$0x4A0];
	v19 =	vadd.f32 v7, v19;
	v7 =	vperm.xlane v8, v3;
	v24 =	vperm.xlane v10, v3  }
0x84: {  	v20 =	vperm.xlane v9, v3;
	v14 =	vld [tilespmem:s31+$0x490];
	v6 =	vadd.f32 v6, v15;
	v25 =	vadd.f32 v12, v18  }
0x85: {  	v12 =	vld [tilespmem:s31+$0x2490];
	v8 =	vadd.f32 v8, v7;
	v7 =	vadd.f32 v10, v24;
	v10 =	vmul.f32 v13, v4  }
0x86: {  	v15 =	vperm.xlane v19, v3;
	v13 =	vperm.xlane v6, v1  }
0x87: {  	v5 =	vld [tilespmem:$0x4610];
	v17 =	vadd.f32 v17, v22;
	v18 =	vadd.f32 v9, v20;
	v9 =	vperm.xlane v10, v0  }
0x88: {  	v16 =	vperm.xlane v11, v1;
	v15 =	vadd.f32 v19, v15;
	v13 =	vadd.f32 v6, v13  }
0x89: {  	v19 =	vmul.f32 v21, v23;
	v6 =	vperm.xlane v17, v3;
	v9 =	vadd.f32 v10, v9  }
0x8a: {  	v10 =	vadd.f32 v11, v16;
	v11 =	vperm.xlane v13, v2;
	v12 =	vmul.f32 v12, v14  }
0x8b: {  	v63 =	vld [tilespmem:s31+$0x4D0];
	v16 =	vmul.f32 v19, v4;
	v6 =	vadd.f32 v17, v6;
	v17 =	vperm.xlane v9, v1  }
0x8c: {  	v20 =	vld [tilespmem:s31+$0x24B0];
	v15 =	vadd.f32 v15, v5;
	v19 =	vperm.xlane v10, v2;
	v12 =	vmul.f32 v12, v4  }
0x8d: {  	v22 =	vperm.xlane v25, v1;
	v14 =	vld [tilespmem:s31+$0x4B0];
	v11 =	vadd.f32 v13, v11;
	v17 =	vadd.f32 v9, v17  }
0x8e: {  	v23 =	vld [tilespmem:s31+$0x24D0];
	v13 =	vperm.xlane v16, v0;
	v21 =	vadd.f32 v10, v19;
	v19 =	vperm.xlane v12, v0  }
0x8f: {  	v8 =	vadd.f32 v8, v5;
	v15 =	vsel vm0, v15, v5;
	v27 =	vperm.xlane v17, v2  }
0x90: {  	v26 =	vperm.xlane v11, v3;
	v13 =	vadd.f32 v16, v13;
	v19 =	vadd.f32 v12, v19;
	v12 =	vld [tilespmem:s31+$0x24C0]  }
0x91: {  	v9 =	vsel vm1, v15, v8;
	v10 =	vadd.f32 v18, v15;
	v16 =	vadd.f32 v17, v27;
	v17 =	vld [tilespmem:s31+$0x4C0]  }
0x92: {  	v18 =	vmul.f32 v20, v14;
	v14 =	vadd.f32 v25, v22;
	v28 =	vperm.xlane v21, v3  }
0x93: {  	v8 =	vadd.f32 v11, v26;
	v15 =	vperm.xlane v13, v1;
	v11 =	vmul.f32 v23, v63  }
0x94: {  	s30 =	simm.s32 $0x4400;
	s1 =	simm.s32 $0x400;
	s4 =	simm.s32 $0x4400;
	v22 =	vperm.xlane v19, v1;
	v20 =	vadd.f32 v21, v28;
	v21 =	vperm.xlane v16, v3  }
.LBB2_2:
0x95: {  	p0 =	sne.s32 s1, $0x7C00  }
0x96: {  	v7 =	vadd.f32 v7, v9;
	v19 =	vadd.f32 v19, v22;
	v12 =	vmul.f32 v12, v17;
	s4 =	sadd.s32 $0x10, s4;
	s0 =	smov.u32 s1;
	s1 =	sadd.s32 $0x400, s1  }
0x97: {  	v17 =	vperm.xlane v14, v2;
	v18 =	vmul.f32 v18, v4;
	v16 =	vadd.f32 v16, v21;
	v21 =	vld [tilespmem:s31+$0x4E0]  }
0x98: {  	v13 =	vadd.f32 v13, v15;
	v20 =	vadd.f32 v20, v9;
	v22 =	vperm.xlane v19, v2;
	v15 =	vld [tilespmem:s31+$0x24E0]  }
0x99: {  	v14 =	vadd.f32 v14, v17;
	v17 =	vperm.xlane v18, v0;
	v12 =	vmul.f32 v12, v4;
	v23 =	vld [tilespmem:s31+$0x24F0]  }
0x9a: {  	v9 =	vsel vm2, v9, v10;
	v10 =	vadd.f32 v19, v22;
	v19 =	vperm.xlane v13, v2;
	v22 =	vld [tilespmem:s31+$0x4F0]  }
0x9b: {  	v7 =	vsel vm3, v9, v7;
	v9 =	vperm.xlane v14, v3;
	v24 =	vperm.xlane v12, v0  }
0x9c: {  	v6 =	vadd.f32 v6, v7;
	v17 =	vadd.f32 v18, v17;
	v25 =	vperm.xlane v10, v3  }
0x9d: {  	v11 =	vmul.f32 v11, v4;
	v7 =	vsel vm4, v7, v20;
	v9 =	vadd.f32 v14, v9  }
0x9e: {  	v6 =	vsel vm5, v7, v6;
	v14 =	vmul.f32 v15, v21;
	v10 =	vadd.f32 v10, v25  }
0x9f: {  	v13 =	vadd.f32 v13, v19;
	v12 =	vadd.f32 v12, v24;
	v15 =	vmul.f32 v23, v22  }
0xa0: {  	v18 =	vperm.xlane v11, v0;
	v16 =	vadd.f32 v16, v6;
	v9 =	vadd.f32 v9, v6  }
0xa1: {  	v7 =	vadd.f32 v8, v7;
	v8 =	vperm.xlane v17, v1;
	v19 =	vperm.xlane v12, v1  }
0xa2: {  	v11 =	vadd.f32 v11, v18;
	v20 =	vperm.xlane v13, v3;
	v15 =	vmul.f32 v15, v4  }
0xa3: {  	v6 =	vsel vm6, v6, v7;
	v7 =	vadd.f32 v17, v8;
	v8 =	vmul.f32 v14, v4  }
0xa4: {  	v12 =	vadd.f32 v12, v19;
	v14 =	vperm.xlane v15, v0  }
0xa5: {  	v17 =	vperm.xlane v7, v2;
	v18 =	vperm.xlane v8, v0  }
0xa6: {  	v13 =	vadd.f32 v13, v20;
	v20 =	vperm.xlane v11, v1;
	v19 =	vperm.xlane v12, v2  }
0xa7: {  	v6 =	vsel vm7, v6, v16;
	v8 =	vadd.f32 v8, v18;
	v14 =	vadd.f32 v15, v14  }
0xa8: {  	v9 =	vsel vm8, v6, v9;
	v7 =	vadd.f32 v7, v17;
	v11 =	vadd.f32 v11, v20  }
0xa9: {  	v12 =	vadd.f32 v12, v19;
	v15 =	vperm.xlane v8, v1;
	v16 =	vperm.xlane v14, v1  }
0xaa: {  	v13 =	vadd.f32 v13, v9;
	v17 =	vperm.xlane v7, v3;
	v18 =	vperm.xlane v11, v2  }
0xab: {  	v6 =	vadd.f32 v10, v6;
	v10 =	vperm.xlane v12, v3;
	v14 =	vadd.f32 v14, v16  }
0xac: {  	v11 =	vadd.f32 v11, v18;
	v8 =	vadd.f32 v8, v15  }
0xad: {  	v7 =	vadd.f32 v7, v17;
	v15 =	vperm.xlane v14, v2  }
0xae: {  	v6 =	vsel vm9, v9, v6;
	v9 =	vperm.xlane v11, v3;
	v16 =	vperm.xlane v8, v2  }
0xaf: {  	v7 =	vadd.f32 v7, v6;
	v14 =	vadd.f32 v14, v15  }
0xb0: {  	v9 =	vadd.f32 v11, v9;
	v8 =	vadd.f32 v8, v16  }
0xb1: {  	v10 =	vadd.f32 v12, v10;
	v11 =	vperm.xlane v14, v3  }
0xb2: {  	v12 =	vsel vm10, v6, v13;
	v13 =	vperm.xlane v8, v3  }
0xb3: {  	v7 =	vsel vm11, v12, v7;
	v6 =	vadd.f32 v10, v6;
	v10 =	vadd.f32 v14, v11  }
0xb4: {  	v9 =	vadd.f32 v9, v7;
	v8 =	vadd.f32 v8, v13  }
0xb5: {  	v6 =	vsel vm12, v7, v6  }
0xb6: {  	v7 =	vsel vm13, v6, v9;
	v6 =	vadd.f32 v8, v6  }
0xb7: {  	v8 =	vadd.f32 v10, v7  }
0xb8: {  	s31 =	sshra.s32 s0, $0x2;
	v6 =	vsel vm14, v7, v6  }
0xb9: {  	v6 =	vsel vm15, v6, v8  }
0xba: {  	[tilespmem:s30+$0x0] =	vst v6;
	s30 =	smov.u32 s4  }
0xbb: {  	v6 =	vld [tilespmem:s31+$0x450]  }
0xbc: {  	v7 =	vld [tilespmem:s31+$0x2450]  }
0xbd: {  	v8 =	vld [tilespmem:s31+$0x440]  }
0xbe: {  	v9 =	vld [tilespmem:s31+$0x2440]  }
0xbf: {  	v10 =	vld [tilespmem:s31+$0x2410]  }
0xc0: {  	v11 =	vld [tilespmem:s31+$0x430]  }
0xc1: {  	v12 =	vld [tilespmem:s31+$0x2430]  }
0xc2: {  	v13 =	vld [tilespmem:s31+$0x2420]  }
0xc3: {  	v14 =	vld [tilespmem:s31+$0x420];
	v8 =	vmul.f32 v9, v8  }
0xc4: {  	v9 =	vld [tilespmem:s31+$0x410]  }
0xc5: {  	v15 =	vld [tilespmem:s31+$0x400];
	v8 =	vmul.f32 v8, v4  }
0xc6: {  	v16 =	vld [tilespmem:s31+$0x2400];
	v11 =	vmul.f32 v12, v11  }
0xc7: {  	v12 =	vperm.xlane v8, v0;
	v17 =	vld [tilespmem:s31+$0x460]  }
0xc8: {  	v13 =	vmul.f32 v13, v14;
	v11 =	vmul.f32 v11, v4  }
0xc9: {  	v9 =	vmul.f32 v10, v9;
	v8 =	vadd.f32 v8, v12  }
0xca: {  	v6 =	vmul.f32 v7, v6;
	v10 =	vmul.f32 v13, v4;
	v7 =	vld [tilespmem:s31+$0x2460]  }
0xcb: {  	v12 =	vmul.f32 v16, v15;
	v9 =	vmul.f32 v9, v4  }
0xcc: {  	v6 =	vmul.f32 v6, v4;
	v13 =	vperm.xlane v10, v0  }
0xcd: {  	v12 =	vmul.f32 v12, v4;
	v14 =	vperm.xlane v9, v0;
	v15 =	vld [tilespmem:s31+$0x2480]  }
0xce: {  	v16 =	vperm.xlane v6, v0;
	v10 =	vadd.f32 v10, v13;
	v13 =	vperm.xlane v11, v0;
	v18 =	vld [tilespmem:s31+$0x470]  }
0xcf: {  	v19 =	vperm.xlane v12, v0;
	v9 =	vadd.f32 v9, v14;
	v7 =	vmul.f32 v7, v17;
	v14 =	vld [tilespmem:s31+$0x480]  }
0xd0: {  	v6 =	vadd.f32 v6, v16;
	v17 =	vperm.xlane v10, v1;
	v11 =	vadd.f32 v11, v13  }
0xd1: {  	v16 =	vperm.xlane v8, v1;
	v12 =	vadd.f32 v12, v19;
	v13 =	vperm.xlane v9, v1  }
0xd2: {  	v19 =	vperm.xlane v6, v1;
	v10 =	vadd.f32 v10, v17;
	v17 =	vperm.xlane v11, v1  }
0xd3: {  	v7 =	vmul.f32 v7, v4;
	v20 =	vperm.xlane v12, v1;
	v9 =	vadd.f32 v9, v13  }
0xd4: {  	v13 =	vperm.xlane v10, v2;
	v11 =	vadd.f32 v11, v17;
	v17 =	vld [tilespmem:s31+$0x2470];
	v14 =	vmul.f32 v15, v14  }
0xd5: {  	v6 =	vadd.f32 v6, v19;
	v12 =	vadd.f32 v12, v20;
	v15 =	vperm.xlane v9, v2  }
0xd6: {  	v10 =	vadd.f32 v10, v13;
	v13 =	vperm.xlane v11, v2;
	v14 =	vmul.f32 v14, v4  }
0xd7: {  	v19 =	vperm.xlane v12, v2;
	v9 =	vadd.f32 v9, v15;
	v15 =	vperm.xlane v7, v0;
	v20 =	vld [tilespmem:s31+$0x490]  }
0xd8: {  	v21 =	vperm.xlane v10, v3;
	v11 =	vadd.f32 v11, v13;
	v13 =	vperm.xlane v14, v0;
	v22 =	vld [tilespmem:s31+$0x24A0]  }
0xd9: {  	v23 =	vperm.xlane v6, v2;
	v12 =	vadd.f32 v12, v19;
	v19 =	vperm.xlane v9, v3;
	v24 =	vld [tilespmem:s31+$0x4A0]  }
0xda: {  	v15 =	vadd.f32 v7, v15;
	v17 =	vmul.f32 v17, v18;
	v25 =	vperm.xlane v11, v3  }
0xdb: {  	v14 =	vadd.f32 v14, v13;
	v18 =	vperm.xlane v12, v3;
	v9 =	vadd.f32 v9, v19  }
0xdc: {  	v13 =	vmul.f32 v17, v4;
	v7 =	vadd.f32 v11, v25;
	v11 =	vperm.xlane v15, v1;
	v17 =	vld [tilespmem:s31+$0x2490]  }
0xdd: {  	v6 =	vadd.f32 v6, v23;
	v23 =	vperm.xlane v14, v1;
	v12 =	vadd.f32 v12, v18  }
0xde: {  	v10 =	vadd.f32 v10, v21;
	v18 =	vperm.xlane v13, v0;
	v19 =	vmul.f32 v22, v24  }
0xdf: {  	v22 =	vperm.xlane v6, v3;
	v11 =	vadd.f32 v15, v11;
	v21 =	vadd.f32 v12, v5;
	v15 =	vld [tilespmem:s31+$0x4B0]  }
0xe0: {  	v9 =	vadd.f32 v9, v5;
	v13 =	vadd.f32 v13, v18;
	v18 =	vmul.f32 v19, v4;
	v12 =	vld [tilespmem:s31+$0x24C0]  }
0xe1: {  	v8 =	vadd.f32 v8, v16;
	v16 =	vperm.xlane v11, v2;
	v17 =	vmul.f32 v17, v20;
	v24 =	vld [tilespmem:s31+$0x24D0]  }
0xe2: {  	v6 =	vadd.f32 v6, v22;
	v19 =	vperm.xlane v13, v1;
	v20 =	vperm.xlane v18, v0;
	v22 =	vld [tilespmem:s31+$0x24B0]  }
0xe3: {  	v25 =	vperm.xlane v8, v2;
	v11 =	vadd.f32 v11, v16;
	v16 =	vmul.f32 v17, v4;
	v26 =	vld [tilespmem:s31+$0x4D0]  }
0xe4: {  	v21 =	vsel vm0, v21, v5;
	v27 =	vadd.f32 v13, v19;
	v17 =	vld [tilespmem:s31+$0x4C0]  }
0xe5: {  	v25 =	vadd.f32 v8, v25;
	v8 =	vperm.xlane v11, v3;
	v19 =	vperm.xlane v16, v0  }
.Ltmp0:
0xe6: {  	v9 =	vsel vm1, v21, v9;
	v13 =	vadd.f32 v18, v20;
	v28 =	vperm.xlane v27, v2;
	(pc) =	sbr.rel @p0 .LBB2_2-.Ltmp0, $4  }
0xe7: {  	v10 =	vadd.f32 v10, v21;
	v20 =	vperm.xlane v25, v3;
	v19 =	vadd.f32 v16, v19  }
0xe8: {  	v8 =	vadd.f32 v11, v8;
	v16 =	vadd.f32 v27, v28;
	v18 =	vmul.f32 v22, v15  }
0xe9: {  	v14 =	vadd.f32 v14, v23;
	v15 =	vperm.xlane v13, v1;
	v22 =	vperm.xlane v19, v1  }
0xea: {  	v20 =	vadd.f32 v25, v20;
	v11 =	vmul.f32 v24, v26;
	v21 =	vperm.xlane v16, v3  }
0xeb: {  	v5 =	vadd.f32 v19, v22;
	v12 =	vmul.f32 v12, v17  }
0xec: {  	v7 =	vadd.f32 v7, v9;
	v31 =	vperm.xlane v14, v2;
	v18 =	vmul.f32 v18, v4;
	v32 =	vld [tilespmem:s31+$0x4E0]  }
0xed: {  	v13 =	vadd.f32 v13, v15;
	v34 =	vld [tilespmem:s31+$0x24E0];
	v37 =	vsel vm2, v9, v10;
	v16 =	vadd.f32 v16, v21  }
0xee: {  	v36 =	vld [tilespmem:s31+$0x24F0];
	v20 =	vadd.f32 v20, v9;
	v11 =	vmul.f32 v11, v4;
	v33 =	vperm.xlane v5, v2  }
0xef: {  	v39 =	vld [tilespmem:s31+$0x4F0];
	v14 =	vadd.f32 v14, v31;
	v35 =	vperm.xlane v18, v0;
	v7 =	vsel vm3, v37, v7  }
0xf0: {  	v12 =	vmul.f32 v12, v4;
	v38 =	vperm.xlane v13, v2;
	v6 =	vadd.f32 v6, v7  }
0xf1: {  	v7 =	vsel vm4, v7, v20;
	v44 =	vperm.xlane v11, v0;
	v5 =	vadd.f32 v5, v33  }
0xf2: {  	v40 =	vperm.xlane v14, v3;
	v23 =	vperm.xlane v12, v0;
	v17 =	vadd.f32 v18, v35  }
0xf3: {  	v10 =	vadd.f32 v13, v38;
	v6 =	vsel vm5, v7, v6;
	v41 =	vmul.f32 v34, v32  }
0xf4: {  	v42 =	vmul.f32 v36, v39;
	v7 =	vadd.f32 v8, v7;
	v11 =	vadd.f32 v11, v44  }
0xf5: {  	v24 =	vperm.xlane v5, v3;
	v9 =	vadd.f32 v14, v40;
	v18 =	vperm.xlane v17, v1  }
0xf6: {  	v12 =	vadd.f32 v12, v23;
	v46 =	vperm.xlane v10, v3;
	v14 =	vmul.f32 v41, v4  }
0xf7: {  	v43 =	vadd.f32 v16, v6;
	v4 =	vmul.f32 v42, v4;
	v51 =	vperm.xlane v11, v1  }
0xf8: {  	v5 =	vadd.f32 v5, v24;
	v9 =	vadd.f32 v9, v6;
	v45 =	vperm.xlane v12, v1  }
0xf9: {  	v47 =	vadd.f32 v17, v18;
	v6 =	vsel vm6, v6, v7;
	v49 =	vperm.xlane v14, v0  }
0xfa: {  	v8 =	vadd.f32 v10, v46;
	v50 =	vperm.xlane v4, v0;
	v6 =	vsel vm7, v6, v43  }
0xfb: {  	v48 =	vadd.f32 v12, v45;
	v17 =	vperm.xlane v47, v2;
	v12 =	vadd.f32 v14, v49  }
0xfc: {  	v10 =	vadd.f32 v11, v51;
	v9 =	vsel vm8, v6, v9;
	v4 =	vadd.f32 v4, v50  }
0xfd: {  	v5 =	vadd.f32 v5, v6;
	v13 =	vadd.f32 v47, v17;
	v53 =	vperm.xlane v12, v1  }
0xfe: {  	v8 =	vadd.f32 v8, v9;
	v52 =	vperm.xlane v48, v2;
	v54 =	vperm.xlane v4, v1  }
0xff: {  	v56 =	vperm.xlane v10, v2;
	v55 =	vperm.xlane v13, v3;
	v11 =	vadd.f32 v12, v53  }
0x100: {  	v7 =	vadd.f32 v48, v52;
	v4 =	vadd.f32 v4, v54  }
0x101: {  	v57 =	vadd.f32 v10, v56;
	v58 =	vadd.f32 v13, v55;
	v12 =	vperm.xlane v11, v2  }
0x102: {  	v5 =	vsel vm9, v9, v5;
	v59 =	vperm.xlane v7, v3;
	v14 =	vperm.xlane v4, v2  }
0x103: {  	v60 =	vperm.xlane v57, v3;
	v10 =	vadd.f32 v58, v5;
	v11 =	vadd.f32 v11, v12  }
0x104: {  	v7 =	vadd.f32 v7, v59;
	v4 =	vadd.f32 v4, v14  }
0x105: {  	v8 =	vsel vm10, v5, v8;
	v6 =	vadd.f32 v57, v60;
	v61 =	vperm.xlane v11, v3  }
0x106: {  	v8 =	vsel vm11, v8, v10;
	v5 =	vadd.f32 v7, v5;
	v62 =	vperm.xlane v4, v3  }
0x107: {  	v6 =	vadd.f32 v6, v8;
	v63 =	vadd.f32 v11, v61  }
0x108: {  	v5 =	vsel vm12, v8, v5;
	v4 =	vadd.f32 v4, v62  }
0x109: {  	v6 =	vsel vm13, v5, v6;
	v5 =	vadd.f32 v63, v5  }
0x10a: {  	v4 =	vadd.f32 v4, v6  }
0x10b: {  	s29 =	sadd.s32 $0x1, s29;
	v5 =	vsel vm14, v6, v5  }
0x10c: {  	p0 =	sne.s32 s29, s16;
	v4 =	vsel vm15, v5, v4  }
.Ltmp1:
0x10d: {  	[tilespmem:s30+$0x0] =	vst v4;
	(pc) =	sbr.rel @p0 .LBB2_1-.Ltmp1, $4  }
0x10e: {  	[hbm4b:s15+s2] =	stream.linear.scatter [tilespmem:s28], [sflag:$0x2], $0x200, $0x38;
	[tilespmem:$0x4620] =	vst v63  }
0x10f: {  	_ =	swait.ge [sflag:s17], $0x200  }
0x110: {  	[sflag:s17] =	ssyncset.done $0x0  }
0x111: {  	[sflag:s17] =	ssyncadd.s32 $0xFFFFFE00  }
0x112: {  	_ =	sfence.sel $0x180000  }
0x113: {  	[bflag:$0x0] =	sbarrier.arrive $0xFFFF  }
0x114: {  	_ =	strace $0x90000047  }
0x115: {  	s0 =	stileid.u32;
	[bflag:$0x2] =	sbarrier.arrive $0xFFFF  }
0x116: {  	p0 =	sne.s32 s0, $0x0;
	s0 =	rddreg [dreg:$0x5]  }
0x117: {  	s0 =	sadd.s32 @!p0 $0x100000, s0  }
0x118: {  	[sflag:s0] =	ssyncadd.tile.s32 @!p0 $0x1;
	_ =	shalt  }
.Lfunc_end2:
_tile_overlayer_lowered:
.L_overlay_start_2:
0x119: {  	(tag) =	ssettag $0x2  }
0x11a: {  	s0 =	rddreg [dreg:$0x0];
	s2 =	stileid.u32  }
0x11b: {  	s1 =	rddreg [dreg:$0x1];
	p0 =	sne.s32 s2, $0x0  }
0x11c: {  	s3 =	rddreg [dreg:$0x2];
	[bflag:$0x3] =	sbarrier.arrive $0xFFFF;
	s2 =	simm.s32 @!p0 $0x1C02  }
0x11d: {  	[timem:s3], [sflag:s2] =	dma.local @!p0 [hbm:s0], s1  }
0x11e: {  	s0 =	simm.s32 @!p0 $0x2  }
0x11f: {  	_ =	swait.ge @!p0 [sflag:s0], s1  }
0x120: {  	s1 =	ssub.s32 @!p0 $0x0, s1;
	[sflag:s0] =	ssyncset.done @!p0 $0x0  }
0x121: {  	[sflag:s0] =	ssyncadd.s32 @!p0 s1  }
0x122: {  	[bflag:$0x3] =	sbarrier.arrive $0xFFFF  }
0x123: {  	_ =	shalt  }

</sc_bundles>
